<compile_context>
chip_gen: v7x
topology: tpu7x:2x2x1
jax: 0.10.2.dev20260603
libtpu: 0.0.44.dev20260713+nightly
codegen_flags: <defaults>
</compile_context>

<pallas_src>
import jax
import jax.numpy as jnp
import numpy as np
from jax.experimental import pallas as pl

_FEAT_STRIDE = 16
_SCALES = np.array([8.0, 16.0, 32.0], dtype=np.float32)
_RATIOS = np.array([0.5, 1.0, 2.0], dtype=np.float32)
_PRE_N = 12000
_POST_N = 2000
_THRESH = 0.7
_MIN_SIZE = 16.0


def _anchors_np(H, W):
    base = float(_FEAT_STRIDE)
    py = px = base / 2.0
    A = len(_RATIOS) * len(_SCALES)
    ab = np.zeros((A, 4), dtype=np.float32)
    for i, r in enumerate(_RATIOS):
        for j, s in enumerate(_SCALES):
            h = base * s * np.sqrt(r)
            w = base * s * np.sqrt(1.0 / r)
            k = i * len(_SCALES) + j
            ab[k] = [py - h / 2.0, px - w / 2.0, py + h / 2.0, px + w / 2.0]
    sy = np.arange(0, H * _FEAT_STRIDE, _FEAT_STRIDE, dtype=np.float32)
    sx = np.arange(0, W * _FEAT_STRIDE, _FEAT_STRIDE, dtype=np.float32)
    gx, gy = np.meshgrid(sx, sy)
    shift = np.stack([gy.ravel(), gx.ravel(), gy.ravel(), gx.ravel()], axis=1)
    return (ab[None, :, :] + shift[:, None, :]).reshape(-1, 4).astype(np.float32)



def _trunk_body(x_ref, w_ref, cb_ref, hw_ref, hb_ref, loc_ref, p0_ref, p1_ref):
    feat = jnp.dot(x_ref[...], w_ref[...], preferred_element_type=jnp.float32)
    feat = jax.nn.relu(feat + cb_ref[...])
    heads = jnp.dot(feat, hw_ref[...], preferred_element_type=jnp.float32) + hb_ref[...]
    loc_ref[...] = heads[:, 0:36]
    l0 = heads[:, 36:45]
    l1 = heads[:, 45:54]
    m = jnp.maximum(l0, l1)
    e0 = jnp.exp(l0 - m)
    e1 = jnp.exp(l1 - m)
    s = e0 + e1
    p0_ref[...] = e0 / s
    p1_ref[...] = e1 / s


def _trunk_pallas(x9, w9, conv_b, head_w, head_b):
    M, K = x9.shape
    TM = 512
    return pl.pallas_call(
        _trunk_body,
        grid=(M // TM,),
        in_specs=[
            pl.BlockSpec((TM, K), lambda i: (i, 0)),
            pl.BlockSpec((K, 512), lambda i: (0, 0)),
            pl.BlockSpec((1, 512), lambda i: (0, 0)),
            pl.BlockSpec((512, 64), lambda i: (0, 0)),
            pl.BlockSpec((1, 64), lambda i: (0, 0)),
        ],
        out_specs=[
            pl.BlockSpec((TM, 36), lambda i: (i, 0)),
            pl.BlockSpec((TM, 9), lambda i: (i, 0)),
            pl.BlockSpec((TM, 9), lambda i: (i, 0)),
        ],
        out_shape=[
            jax.ShapeDtypeStruct((M, 36), jnp.float32),
            jax.ShapeDtypeStruct((M, 9), jnp.float32),
            jax.ShapeDtypeStruct((M, 9), jnp.float32),
        ],
    )(x9, w9, conv_b, head_w, head_b)



def _conv2d(x, w, b, pad):
    out = jax.lax.conv_general_dilated(x, w, (1, 1), [(pad, pad), (pad, pad)],
                                       dimension_numbers=('NCHW', 'OIHW', 'NCHW'))
    return out + b[None, :, None, None]


def _loc2bbox(src, loc):
    sh = src[:, 2] - src[:, 0]
    sw = src[:, 3] - src[:, 1]
    cy = src[:, 0] + 0.5 * sh
    cx = src[:, 1] + 0.5 * sw
    dy, dx, dh, dw = loc[:, 0], loc[:, 1], loc[:, 2], loc[:, 3]
    ncy = dy * sh + cy
    ncx = dx * sw + cx
    nh = jnp.exp(dh) * sh
    nw = jnp.exp(dw) * sw
    return jnp.stack([ncy - 0.5 * nh, ncx - 0.5 * nw, ncy + 0.5 * nh, ncx + 0.5 * nw], axis=1)


def _nms_seq(boxes, scores, thresh, max_out):
    areas = (boxes[:, 2] - boxes[:, 0]) * (boxes[:, 3] - boxes[:, 1])
    def body(i, state):
        s, keep = state
        idx = jnp.argmax(s)
        keep = keep.at[i].set(idx.astype(jnp.int32))
        box = boxes[idx]
        yy1 = jnp.maximum(box[0], boxes[:, 0])
        xx1 = jnp.maximum(box[1], boxes[:, 1])
        yy2 = jnp.minimum(box[2], boxes[:, 2])
        xx2 = jnp.minimum(box[3], boxes[:, 3])
        inter = jnp.maximum(yy2 - yy1, 0.0) * jnp.maximum(xx2 - xx1, 0.0)
        iou = inter / (areas[idx] + areas - inter + 1e-9)
        s = jnp.where(iou > thresh, -jnp.inf, s)
        s = s.at[idx].set(-jnp.inf)
        return s, keep
    keep0 = jnp.zeros((max_out,), dtype=jnp.int32)
    _, keep = jax.lax.fori_loop(0, max_out, body, (scores, keep0))
    return keep


def kernel(inputs, conv_w, conv_b, bf_w, bf_b, loc_w, loc_b, img_size):
    B, C, H, W = inputs.shape
    A = 9
    mid = conv_w.shape[0]
    anchors = jnp.asarray(_anchors_np(H, W))
    img = jnp.asarray(img_size).astype(jnp.float32)

    x = jnp.transpose(inputs[0], (1, 2, 0))
    xp = jnp.pad(x, ((1, 1), (1, 1), (0, 0)))
    x9 = jnp.stack([xp[ky:ky + H, kx:kx + W, :]
                    for ky in range(3) for kx in range(3)], axis=2).reshape(H * W, 9 * C)
    w9 = jnp.transpose(conv_w, (2, 3, 1, 0)).reshape(9 * C, mid)
    locw = jnp.transpose(loc_w.reshape(A * 4, mid), (1, 0))
    bfw = jnp.transpose(bf_w.reshape(A * 2, mid), (1, 0))
    bf0 = bfw[:, 0::2]
    bf1 = bfw[:, 1::2]
    head_w = jnp.concatenate([locw, bf0, bf1, jnp.zeros((mid, 10), jnp.float32)], axis=1)
    head_b = jnp.concatenate([loc_b, bf_b[0::2], bf_b[1::2], jnp.zeros((10,), jnp.float32)])
    loc_flat, p0, p1 = _trunk_pallas(x9, w9, conv_b.reshape(1, mid),
                                     head_w, head_b.reshape(1, 64))
    loc_out = loc_flat.reshape(1, H * W * A, 4)
    bf_out = jnp.stack([p0.reshape(-1), p1.reshape(-1)], axis=1).reshape(1, H * W * A, 2)

    feat_r = jax.nn.relu(_conv2d(inputs, conv_w, conv_b, 1))
    loc_r = _conv2d(feat_r, loc_w, loc_b, 0)
    loc_r = jnp.transpose(loc_r, (0, 2, 3, 1)).reshape(B, -1, 4)
    bf_r = _conv2d(feat_r, bf_w, bf_b, 0)
    bf_r = jnp.transpose(bf_r, (0, 2, 3, 1)).reshape(B, H, W, A, 2)
    bf_r = jax.nn.softmax(bf_r, axis=4)
    fg_r = bf_r[..., 1].reshape(B, -1)

    roi = _loc2bbox(anchors, loc_r[0])
    roi = jnp.stack([jnp.clip(roi[:, 0], 0.0, img),
                     jnp.clip(roi[:, 1], 0.0, img),
                     jnp.clip(roi[:, 2], 0.0, img),
                     jnp.clip(roi[:, 3], 0.0, img)], axis=1)
    hs = roi[:, 2] - roi[:, 0]
    ws = roi[:, 3] - roi[:, 1]
    score = jnp.where((hs >= _MIN_SIZE) & (ws >= _MIN_SIZE), fg_r[0], -jnp.inf)
    pre_n = min(_PRE_N, anchors.shape[0])
    top_scores, order = jax.lax.top_k(jax.lax.stop_gradient(score), pre_n)
    roi_sel = roi[order]
    keep = _nms_seq(jax.lax.stop_gradient(roi_sel), top_scores, _THRESH, _POST_N)
    rois = roi_sel[keep]
    rois_idx = jnp.zeros((_POST_N,), dtype=jnp.int32)
    return rois, rois_idx, anchors, loc_out, bf_out

# --- scband reference (transcript-rebuilt; emitter-appended) ---
"""Pipeline reference for scband-region-proposal-net-work-61409442398730 (READ-ONLY COPY).

The authoritative reference and input builder live on the scoring server;
editing this copy changes nothing except your own understanding.
"""

import jax, jax.numpy as jnp
import numpy as np

FEAT_STRIDE = 16
ANCHOR_SCALES = np.array([8.0, 16.0, 32.0], dtype=np.float32)
ANCHOR_RATIOS = np.array([0.5, 1.0, 2.0], dtype=np.float32)
PRE_NMS_TOPN = 12000
POST_NMS_TOPN = 2000
NMS_THRESH = 0.7
MIN_SIZE = 16.0


def _anchor_base():
    base = float(FEAT_STRIDE)
    py = base / 2.0
    px = base / 2.0
    A = len(ANCHOR_RATIOS) * len(ANCHOR_SCALES)
    ab = np.zeros((A, 4), dtype=np.float32)
    for i, r in enumerate(ANCHOR_RATIOS):
        for j, s in enumerate(ANCHOR_SCALES):
            h = base * s * np.sqrt(r)
            w = base * s * np.sqrt(1.0 / r)
            k = i * len(ANCHOR_SCALES) + j
            ab[k, 0] = py - h / 2.0
            ab[k, 1] = px - w / 2.0
            ab[k, 2] = py + h / 2.0
            ab[k, 3] = px + w / 2.0
    return ab


def _enumerate_anchors(H, W):
    ab = _anchor_base()
    shift_y = np.arange(0, H * FEAT_STRIDE, FEAT_STRIDE, dtype=np.float32)
    shift_x = np.arange(0, W * FEAT_STRIDE, FEAT_STRIDE, dtype=np.float32)
    sx, sy = np.meshgrid(shift_x, shift_y)
    shift = np.stack([sy.ravel(), sx.ravel(), sy.ravel(), sx.ravel()], axis=1)
    anchors = (ab[None, :, :] + shift[:, None, :]).reshape(-1, 4).astype(np.float32)
    return jnp.asarray(anchors)


def _conv2d(x, w, b, pad):
    out = jax.lax.conv_general_dilated(x, w, (1, 1), [(pad, pad), (pad, pad)],
                                       dimension_numbers=('NCHW', 'OIHW', 'NCHW'))
    return out + b[None, :, None, None]


def _loc2bbox(src, loc):
    sh = src[:, 2] - src[:, 0]
    sw = src[:, 3] - src[:, 1]
    cy = src[:, 0] + 0.5 * sh
    cx = src[:, 1] + 0.5 * sw
    dy, dx, dh, dw = loc[:, 0], loc[:, 1], loc[:, 2], loc[:, 3]
    ncy = dy * sh + cy
    ncx = dx * sw + cx
    nh = jnp.exp(dh) * sh
    nw = jnp.exp(dw) * sw
    return jnp.stack([ncy - 0.5 * nh, ncx - 0.5 * nw, ncy + 0.5 * nh, ncx + 0.5 * nw], axis=1)


def _nms(boxes, scores, thresh, max_out):
    areas = (boxes[:, 2] - boxes[:, 0]) * (boxes[:, 3] - boxes[:, 1])
    def body(i, state):
        s, keep = state
        idx = jnp.argmax(s)
        keep = keep.at[i].set(idx.astype(jnp.int32))
        box = boxes[idx]
        yy1 = jnp.maximum(box[0], boxes[:, 0])
        xx1 = jnp.maximum(box[1], boxes[:, 1])
        yy2 = jnp.minimum(box[2], boxes[:, 2])
        xx2 = jnp.minimum(box[3], boxes[:, 3])
        inter = jnp.maximum(yy2 - yy1, 0.0) * jnp.maximum(xx2 - xx1, 0.0)
        iou = inter / (areas[idx] + areas - inter + 1e-9)
        s = jnp.where(iou > thresh, -jnp.inf, s)
        s = s.at[idx].set(-jnp.inf)
        return s, keep
    keep0 = jnp.zeros((max_out,), dtype=jnp.int32)
    _, keep = jax.lax.fori_loop(0, max_out, body, (scores, keep0))
    return keep


def _forward(inputs, conv_w, conv_b, bf_w, bf_b, loc_w, loc_b, img_size):
    B, C, H, W = inputs.shape
    A = 9
    feat = jax.nn.relu(_conv2d(inputs, conv_w, conv_b, 1))
    loc = _conv2d(feat, loc_w, loc_b, 0)
    loc = jnp.transpose(loc, (0, 2, 3, 1)).reshape(B, -1, 4)
    bf = _conv2d(feat, bf_w, bf_b, 0)
    bf = jnp.transpose(bf, (0, 2, 3, 1)).reshape(B, H, W, A, 2)
    bf = jax.nn.softmax(bf, axis=4)
    fg = bf[..., 1].reshape(B, -1)
    bf = bf.reshape(B, -1, 2)
    anchors = _enumerate_anchors(H, W)
    n_anchor = anchors.shape[0]
    pre_n = min(PRE_NMS_TOPN, n_anchor)
    img = jnp.asarray(img_size).astype(jnp.float32)
    rois_all = []
    idx_all = []
    for b in range(B):
        roi = _loc2bbox(anchors, loc[b])
        roi = jnp.stack([jnp.clip(roi[:, 0], 0.0, img),
                         jnp.clip(roi[:, 1], 0.0, img),
                         jnp.clip(roi[:, 2], 0.0, img),
                         jnp.clip(roi[:, 3], 0.0, img)], axis=1)
        hs = roi[:, 2] - roi[:, 0]
        ws = roi[:, 3] - roi[:, 1]
        score = jnp.where((hs >= MIN_SIZE) & (ws >= MIN_SIZE), fg[b], -jnp.inf)
        top_scores, order = jax.lax.top_k(jax.lax.stop_gradient(score), pre_n)
        roi_sel = roi[order]
        keep = _nms(jax.lax.stop_gradient(roi_sel), top_scores, NMS_THRESH, POST_NMS_TOPN)
        rois_all.append(roi_sel[keep])
        idx_all.append(jnp.full((POST_NMS_TOPN,), b, dtype=jnp.int32))
    rois = jnp.concatenate(rois_all, axis=0)
    rois_idx = jnp.concatenate(idx_all, axis=0)
    return rois, rois_idx, anchors, loc, bf


def setup_inputs(seed: int = 0):
    key = jax.random.key(seed)
    ks = jax.random.split(key, 4)
    B, C, H, W = 1, 512, 64, 64
    mid = 512
    A = 9
    inputs = jax.random.normal(ks[0], (B, C, H, W), dtype=jnp.float32)
    conv_w = jax.random.normal(ks[1], (mid, C, 3, 3), dtype=jnp.float32) * 0.01
    conv_b = jnp.zeros((mid,), dtype=jnp.float32)
    bf_w = jax.random.normal(ks[2], (A * 2, mid, 1, 1), dtype=jnp.float32) * 0.01
    bf_b = jnp.zeros((A * 2,), dtype=jnp.float32)
    loc_w = jax.random.normal(ks[3], (A * 4, mid, 1, 1), dtype=jnp.float32) * 0.01
    loc_b = jnp.zeros((A * 4,), dtype=jnp.float32)
    return {"inputs": inputs, "conv_w": conv_w, "conv_b": conv_b,
            "bf_w": bf_w, "bf_b": bf_b, "loc_w": loc_w, "loc_b": loc_b,
            "img_size": 1024}


def reference(inputs, conv_w, conv_b, bf_w, bf_b, loc_w, loc_b, img_size):
    return _forward(inputs, conv_w, conv_b, bf_w, bf_b, loc_w, loc_b, img_size)

if __name__ == "__main__":
    import jax
    _d = setup_inputs()
    print(jax.jit(kernel)(*tuple(_d.values())))

</pallas_src>

<mosaic_0001>
module attributes {stable_mosaic.version = 14 : i64} {
  func.func @_trunk_body(%arg0: i32, %arg1: memref<512x4608xf32, #tpu.memory_space<vmem>>, %arg2: memref<4608x512xf32, #tpu.memory_space<vmem>>, %arg3: memref<1x512xf32, #tpu.memory_space<vmem>>, %arg4: memref<512x64xf32, #tpu.memory_space<vmem>>, %arg5: memref<1x64xf32, #tpu.memory_space<vmem>>, %arg6: memref<512x36xf32, #tpu.memory_space<vmem>>, %arg7: memref<512x9xf32, #tpu.memory_space<vmem>>, %arg8: memref<512x9xf32, #tpu.memory_space<vmem>>) attributes {dimension_semantics = [#tpu.dimension_semantics<arbitrary>], iteration_bounds = array<i64: 8>, scalar_prefetch = 0 : i64, scratch_operands = 0 : i64, tpu.core_type = #tpu.core_type<tc>, window_params = [{transform_indices = @transform_0, window_bounds = array<i64: 512, 4608>}, {pipeline_mode = #tpu.pipeline_mode<synchronous>, transform_indices = @transform_1, window_bounds = array<i64: 4608, 512>}, {pipeline_mode = #tpu.pipeline_mode<synchronous>, transform_indices = @transform_2, window_bounds = array<i64: 1, 512>}, {pipeline_mode = #tpu.pipeline_mode<synchronous>, transform_indices = @transform_3, window_bounds = array<i64: 512, 64>}, {pipeline_mode = #tpu.pipeline_mode<synchronous>, transform_indices = @transform_4, window_bounds = array<i64: 1, 64>}, {transform_indices = @transform_5, window_bounds = array<i64: 512, 36>}, {transform_indices = @transform_6, window_bounds = array<i64: 512, 9>}, {transform_indices = @transform_7, window_bounds = array<i64: 512, 9>}]} {
    %get3A = arith.constant 0 : index
    %get3A_0 = arith.constant 0 : index
    %get3A_1 = vector.load %arg1[%get3A, %get3A_0] : memref<512x4608xf32, #tpu.memory_space<vmem>>, vector<512x4608xf32>
    %get3A_2 = arith.constant 0 : index
    %get3A_3 = arith.constant 0 : index
    %get3A_4 = vector.load %arg2[%get3A_2, %get3A_3] : memref<4608x512xf32, #tpu.memory_space<vmem>>, vector<4608x512xf32>
    %dot_general3A = arith.constant dense<0.000000e+00> : vector<512x512xf32>
    %dot_general3A_5 = tpu.matmul %get3A_1, %get3A_4, %dot_general3A {dimension_numbers = #tpu.dot_dimension_numbers<[1], [0], [0], [1], [0, 0, 1, 1], [], []>, transpose_lhs_hint = false} : vector<512x4608xf32>, vector<4608x512xf32>, vector<512x512xf32> -> vector<512x512xf32>
    %get3A_6 = arith.constant 0 : index
    %get3A_7 = arith.constant 0 : index
    %get3A_8 = vector.load %arg3[%get3A_6, %get3A_7] : memref<1x512xf32, #tpu.memory_space<vmem>>, vector<1x512xf32>
    %add3A = vector.broadcast %get3A_8 : vector<1x512xf32> to vector<512x512xf32>
    %add3A_9 = arith.addf %dot_general3A_5, %add3A : vector<512x512xf32>
    %max3A = arith.constant 0.000000e+00 : f32
    %max3A_10 = vector.broadcast %max3A : f32 to vector<512x512xf32>
    %max3A_11 = arith.maximumf %add3A_9, %max3A_10 : vector<512x512xf32>
    %get3A_12 = arith.constant 0 : index
    %get3A_13 = arith.constant 0 : index
    %get3A_14 = vector.load %arg4[%get3A_12, %get3A_13] : memref<512x64xf32, #tpu.memory_space<vmem>>, vector<512x64xf32>
    %dot_general3A_15 = arith.constant dense<0.000000e+00> : vector<512x64xf32>
    %dot_general3A_16 = tpu.matmul %max3A_11, %get3A_14, %dot_general3A_15 {dimension_numbers = #tpu.dot_dimension_numbers<[1], [0], [0], [1], [0, 0, 1, 1], [], []>, transpose_lhs_hint = false} : vector<512x512xf32>, vector<512x64xf32>, vector<512x64xf32> -> vector<512x64xf32>
    %get3A_17 = arith.constant 0 : index
    %get3A_18 = arith.constant 0 : index
    %get3A_19 = vector.load %arg5[%get3A_17, %get3A_18] : memref<1x64xf32, #tpu.memory_space<vmem>>, vector<1x64xf32>
    %add3A_20 = vector.broadcast %get3A_19 : vector<1x64xf32> to vector<512x64xf32>
    %add3A_21 = arith.addf %dot_general3A_16, %add3A_20 : vector<512x64xf32>
    %slice3A = vector.extract_strided_slice %add3A_21 {offsets = [0, 0], sizes = [512, 36], strides = [1, 1]} : vector<512x64xf32> to vector<512x36xf32>
    %swap3A = arith.constant 0 : index
    %swap3A_22 = arith.constant 0 : index
    %swap3A_23 = vector.load %arg6[%swap3A, %swap3A_22] : memref<512x36xf32, #tpu.memory_space<vmem>>, vector<512x36xf32>
    tpu.vector_store %arg6[%swap3A, %swap3A_22], %slice3A {strides = array<i32>} : memref<512x36xf32, #tpu.memory_space<vmem>>, vector<512x36xf32>,
    %slice3A_24 = vector.extract_strided_slice %add3A_21 {offsets = [0, 36], sizes = [512, 9], strides = [1, 1]} : vector<512x64xf32> to vector<512x9xf32>
    %slice3A_25 = vector.extract_strided_slice %add3A_21 {offsets = [0, 45], sizes = [512, 9], strides = [1, 1]} : vector<512x64xf32> to vector<512x9xf32>
    %max3A_26 = arith.maximumf %slice3A_24, %slice3A_25 : vector<512x9xf32>
    %sub3A = arith.subf %slice3A_24, %max3A_26 : vector<512x9xf32>
    %exp3A = math.exp %sub3A : vector<512x9xf32>
    %sub3A_27 = arith.subf %slice3A_25, %max3A_26 : vector<512x9xf32>
    %exp3A_28 = math.exp %sub3A_27 : vector<512x9xf32>
    %add3A_29 = arith.addf %exp3A, %exp3A_28 : vector<512x9xf32>
    %div3A = arith.divf %exp3A, %add3A_29 : vector<512x9xf32>
    %swap3A_30 = arith.constant 0 : index
    %swap3A_31 = arith.constant 0 : index
    %swap3A_32 = vector.load %arg7[%swap3A_30, %swap3A_31] : memref<512x9xf32, #tpu.memory_space<vmem>>, vector<512x9xf32>
    tpu.vector_store %arg7[%swap3A_30, %swap3A_31], %div3A {strides = array<i32>} : memref<512x9xf32, #tpu.memory_space<vmem>>, vector<512x9xf32>,
    %div3A_33 = arith.divf %exp3A_28, %add3A_29 : vector<512x9xf32>
    %swap3A_34 = arith.constant 0 : index
    %swap3A_35 = arith.constant 0 : index
    %swap3A_36 = vector.load %arg8[%swap3A_34, %swap3A_35] : memref<512x9xf32, #tpu.memory_space<vmem>>, vector<512x9xf32>
    tpu.vector_store %arg8[%swap3A_34, %swap3A_35], %div3A_33 {strides = array<i32>} : memref<512x9xf32, #tpu.memory_space<vmem>>, vector<512x9xf32>,
    return
  }
  func.func @transform_0(%arg0: i32) -> (i32, i32) {
    %c0_i32 = arith.constant 0 : i32
    %c0_i32_0 = arith.constant 0 : i32
    return %arg0, %c0_i32 : i32, i32
  }
  func.func @transform_1(%arg0: i32) -> (i32, i32) {
    %c0_i32 = arith.constant 0 : i32
    %c0_i32_0 = arith.constant 0 : i32
    %c0_i32_1 = arith.constant 0 : i32
    return %c0_i32, %c0_i32_0 : i32, i32
  }
  func.func @transform_2(%arg0: i32) -> (i32, i32) {
    %c0_i32 = arith.constant 0 : i32
    %c0_i32_0 = arith.constant 0 : i32
    %c0_i32_1 = arith.constant 0 : i32
    return %c0_i32, %c0_i32_0 : i32, i32
  }
  func.func @transform_3(%arg0: i32) -> (i32, i32) {
    %c0_i32 = arith.constant 0 : i32
    %c0_i32_0 = arith.constant 0 : i32
    %c0_i32_1 = arith.constant 0 : i32
    return %c0_i32, %c0_i32_0 : i32, i32
  }
  func.func @transform_4(%arg0: i32) -> (i32, i32) {
    %c0_i32 = arith.constant 0 : i32
    %c0_i32_0 = arith.constant 0 : i32
    %c0_i32_1 = arith.constant 0 : i32
    return %c0_i32, %c0_i32_0 : i32, i32
  }
  func.func @transform_5(%arg0: i32) -> (i32, i32) {
    %c0_i32 = arith.constant 0 : i32
    %c0_i32_0 = arith.constant 0 : i32
    return %arg0, %c0_i32 : i32, i32
  }
  func.func @transform_6(%arg0: i32) -> (i32, i32) {
    %c0_i32 = arith.constant 0 : i32
    %c0_i32_0 = arith.constant 0 : i32
    return %arg0, %c0_i32 : i32, i32
  }
  func.func @transform_7(%arg0: i32) -> (i32, i32) {
    %c0_i32 = arith.constant 0 : i32
    %c0_i32_0 = arith.constant 0 : i32
    return %arg0, %c0_i32 : i32, i32
  }
}

</mosaic_0001>

<sc_bundles>
// kernel: gather_offload_async_start.1
scs
__scs_entry_jumppad:
0x0: {  	(pc) =	sbr.rel $0x88, $3  }
0x1: {  	(tag) =	ssettag $0x0;
	lr =	simm.s32 $0x1  }
0x2: {  	[smem:$0x3F99] =	sst lr;
	_ =	strace $0xD0000000  }
0x3: {  	_ = 	snop  }
0x4: {  	_ = 	snop  }
0x5: {  	_ = 	snop  }
0x6: {  	_ = 	snop  }
0x7: {  	_ = 	snop  }
__scs_overlays_trampoline_lowered:
0x8: {  	[smem:$0x3FA8] =	sst s0  }
0x9: {  	[smem:$0x3FA9] =	sst s1  }
0xa: {  	[smem:$0x3FAA] =	sst s2  }
0xb: {  	[smem:$0x3FAB] =	sst s3  }
0xc: {  	[smem:$0x3FAC] =	sst s4  }
0xd: {  	[smem:$0x3FAD] =	sst s5  }
0xe: {  	[smem:$0x3FAE] =	sst s6  }
0xf: {  	[smem:$0x3FAF] =	sst s7  }
0x10: {  	[smem:$0x3FB0] =	sst s8  }
0x11: {  	[smem:$0x3FB1] =	sst s9;
	s0 =	simm.s32 @!p0 $0x0  }
0x12: {  	s1 =	sld [smem:$0x3F97];
	s0 =	simm.s32 @p0 $0x1  }
0x13: {  	[smem:$0x3FB2] =	sst s0;
	s0 =	simm.s32 @!p1 $0x0  }
0x14: {  	s2 =	sld [smem:$0x3F96];
	s0 =	simm.s32 @p1 $0x1  }
0x15: {  	[smem:$0x3FB3] =	sst s0;
	s0 =	simm.s32 @!p2 $0x0  }
0x16: {  	s3 =	sld [smem:$0x3FDB];
	s0 =	simm.s32 @p2 $0x1  }
0x17: {  	s4 =	simm.s32 $0x1BF5;
	[smem:$0x3FB5] =	sst s0  }
0x18: {  	s0 =	sld [smem:$0x3F98];
	_ =	swait.ge [sflag:s4], $0x0  }
0x19: {  	s7 =	sld [smem:$0x3F99]  }
0x1a: {  	s8 =	sadd.s32 $0xFFFFE003, lr  }
0x1b: {  	s9 =	sadd.s32 $0xFFFFFEF7, lr;
	s5 =	simm.s32 $0xFFFFFFFF;
	p2 =	slt.u32 s8, $0xFFFFF086  }
0x1c: {  	p1 =	slt.u32 s9, $0xF7A;
	s5 =	simm.s32 @!p2 $0x0  }
0x1d: {  	s5 =	simm.s32 @p1 $0x1;
	p0 =	seq.s32 s7, s2  }
0x1e: {  	s7 =	smul.u32 @!p0 $0xF7A, s2;
	p2 =	seq.s32 @!p0 s5, $0x0  }
0x1f: {  	s9 =	smul.u32 $0xF7A, s1;
	s8 =	simm.s32 @!p0 $0x1BF5;
	p2 =	por !p2, p0  }
0x20: {  	[sflag:s8] =	ssyncset.s32 @!p0 $0xFFFFF086;
	s6 =	sadd.s32 @!p0 s3, s7;
	s7 =	simm.s32 @!p0 $0x108  }
0x21: {  	s3 =	sadd.s32 s3, s9;
	s6 =	sadd.s32 @!p0 $0x88, s6;
	s7 =	simm.s32 @p2 $0x1082  }
0x22: {  	[simem:s7], [sflag:s8] =	dma.local @!p0 [hbm:s6], $0xF7A  }
0x23: {  	s9 =	sor.u32 $0xD0000000, s2;
	s6 =	simm.s32 $0x108;
	_ =	swait.ge @!p0 [sflag:s8], $0x0  }
0x24: {  	s3 =	sadd.s32 $0x88, s3;
	s6 =	simm.s32 @!p1 $0x1082;
	[sflag:s4] =	ssyncset.s32 $0xFFFFF086  }
0x25: {  	[simem:s6], [sflag:s4] =	dma.local [hbm:s3], $0xF7A  }
0x26: {  	[smem:$0x3F99] =	sst s1;
	(tag) =	ssettag s2;
	_ =	strace s9  }
0x27: {  	s1 =	sld [smem:$0x3FA9]  }
0x28: {  	s2 =	sld [smem:$0x3FAA]  }
0x29: {  	s4 =	sld [smem:$0x3FAC]  }
0x2a: {  	p0 =	seq.s32 s5, $0x0;
	s5 =	sld [smem:$0x3FAD]  }
0x2b: {  	s6 =	sld [smem:$0x3FAE]  }
0x2c: {  	s7 =	sld [smem:$0x3FAF]  }
0x2d: {  	s3 =	simm.s32 $0x108;
	s8 =	sld [smem:$0x3FB0]  }
0x2e: {  	s3 =	simm.s32 @!p0 $0x1082;
	s9 =	sld [smem:$0x3FB1]  }
0x2f: {  	lr =	sadd.s32 s0, s3;
	s0 =	sld [smem:$0x3FA8]  }
0x30: {  	s3 =	sld [smem:$0x3FAB]  }
0x31: {  	[smem:$0x3FB4] =	sst s10  }
0x32: {  	s10 =	sld [smem:$0x3FB2];
	_ =	sdelay $0x3  }
0x33: {  	p0 =	seq.s32 s10, $0x1;
	s10 =	sld [smem:$0x3FB4];
	_ =	sdelay $0x3  }
0x34: {  	[smem:$0x3FB4] =	sst s10  }
0x35: {  	s10 =	sld [smem:$0x3FB3];
	_ =	sdelay $0x3  }
0x36: {  	p1 =	seq.s32 s10, $0x1;
	s10 =	sld [smem:$0x3FB4];
	_ =	sdelay $0x3  }
0x37: {  	[smem:$0x3FB4] =	sst s10  }
0x38: {  	s10 =	sld [smem:$0x3FB5]  }
0x39: {  	_ = 	snop;
	(pc) =	sbr.ind lr, $3  }
0x3a: {  	_ = 	snop  }
0x3b: {  	_ = 	snop  }
0x3c: {  	p2 =	seq.s32 s10, $0x1;
	s10 =	sld [smem:$0x3FB4]  }
0x3d: {  	_ =	shalt  }
0x3e: {  	_ =	shalt  }
0x3f: {  	_ =	shalt  }
0x40: {  	_ =	shalt  }
0x41: {  	_ =	shalt  }
0x42: {  	_ =	shalt  }
0x43: {  	_ =	shalt  }
0x44: {  	_ =	shalt  }
0x45: {  	_ =	shalt  }
0x46: {  	_ =	shalt  }
0x47: {  	_ =	shalt  }
0x48: {  	_ =	shalt  }
0x49: {  	_ =	shalt  }
0x4a: {  	_ =	shalt  }
0x4b: {  	_ =	shalt  }
0x4c: {  	_ =	shalt  }
0x4d: {  	_ =	shalt  }
0x4e: {  	_ =	shalt  }
0x4f: {  	_ =	shalt  }
0x50: {  	_ =	shalt  }
0x51: {  	_ =	shalt  }
0x52: {  	_ =	shalt  }
0x53: {  	_ =	shalt  }
0x54: {  	_ =	shalt  }
0x55: {  	_ =	shalt  }
0x56: {  	_ =	shalt  }
0x57: {  	_ =	shalt  }
0x58: {  	_ =	shalt  }
0x59: {  	_ =	shalt  }
0x5a: {  	_ =	shalt  }
0x5b: {  	_ =	shalt  }
0x5c: {  	_ =	shalt  }
0x5d: {  	_ =	shalt  }
0x5e: {  	_ =	shalt  }
0x5f: {  	_ =	shalt  }
0x60: {  	_ =	shalt  }
0x61: {  	_ =	shalt  }
0x62: {  	_ =	shalt  }
0x63: {  	_ =	shalt  }
0x64: {  	_ =	shalt  }
0x65: {  	_ =	shalt  }
0x66: {  	_ =	shalt  }
0x67: {  	_ =	shalt  }
0x68: {  	_ =	shalt  }
0x69: {  	_ =	shalt  }
0x6a: {  	_ =	shalt  }
0x6b: {  	_ =	shalt  }
0x6c: {  	_ =	shalt  }
0x6d: {  	_ =	shalt  }
0x6e: {  	_ =	shalt  }
0x6f: {  	_ =	shalt  }
0x70: {  	_ =	shalt  }
0x71: {  	_ =	shalt  }
0x72: {  	_ =	shalt  }
0x73: {  	_ =	shalt  }
0x74: {  	_ =	shalt  }
0x75: {  	_ =	shalt  }
0x76: {  	_ =	shalt  }
0x77: {  	_ =	shalt  }
0x78: {  	_ =	shalt  }
0x79: {  	_ =	shalt  }
0x7a: {  	_ =	shalt  }
0x7b: {  	_ =	shalt  }
0x7c: {  	_ =	shalt  }
0x7d: {  	_ =	shalt  }
0x7e: {  	_ =	shalt  }
0x7f: {  	_ =	shalt  }
0x80: {  	_ =	shalt  }
0x81: {  	_ =	shalt  }
0x82: {  	_ =	shalt  }
0x83: {  	_ =	shalt  }
0x84: {  	_ =	shalt  }
0x85: {  	_ =	shalt  }
0x86: {  	_ =	shalt  }
0x87: {  	_ =	shalt  }
.Lfunc_end0:
.L_simem_size_0:
called_computation.3_lowered:
.L_overlay_start_0:
0x88: {  	s0 =	sld [smem:$0x3FD9]  }
0x89: {  	s1 =	sld [smem:$0x3FFE];
	_ =	sdelay $0x3  }
0x8a: {  	s0 =	sadd.s32 s1, s0  }
0x8b: {  	[smem:$0x3FC0] =	sst s0  }
0x8c: {  	_ = 	snop  }
0x8d: {  	s0 =	sld [smem:$0x3FD0];
	_ =	sdelay $0x2  }
0x8e: {  	s13 =	simm.s32 $0xB;
	s2 =	simm.s32 $0x10  }
0x8f: {  	[smem:s2], [sflag:s13] =	dma.local [hbm:s0], $0x1  }
0x90: {  	_ =	swait.eq [sflag:s13], $0x1  }
0x91: {  	[sflag:s13] =	ssyncset.done $0x0  }
0x92: {  	[sflag:s13] =	ssyncadd.s32 $0xFFFFFFFF  }
0x93: {  	s14 =	sld [smem:$0x11];
	(tm) =	ssettm $0x1  }
0x94: {  	s15 =	sld [smem:$0x3FFB];
	_ =	sdelay $0x3  }
0x95: {  	_ =	strace s15  }
0x96: {  	s1 =	sld [smem:$0x3FFC];
	_ =	sdelay $0x3  }
0x97: {  	_ =	strace s1  }
0x98: {  	s1 =	sld [smem:$0x3FFD];
	_ =	sdelay $0x3  }
0x99: {  	_ =	strace s1  }
0x9a: {  	_ =	strace $0x8FFFFFFF  }
0x9b: {  	s16 =	sld [smem:$0x3FDB];
	_ =	sdelay $0x1  }
0x9c: {  	s17 =	simm.s32 $_scs_section_size  }
0x9d: {  	s3 =	simm.s32 $_size__tile_overlayer_lowered;
	s4 =	simm.s32 $_tile_overlayer_lowered  }
0x9e: {  	s20 =	simm.s32 $0x1BFF;
	s19 =	sshll.u32 s4, $0x1;
	s1 =	sadd.s32 s17, s16  }
0x9f: {  	s5 =	simm.s32 $0x0;
	s18 =	sshll.u32 s3, $0x1;
	s3 =	sadd.s32 s19, s1  }
0xa0: {  	[timem:s5], [sflag:s20] =	dma.local [hbm:s3], s18  }
0xa1: {  	_ =	swait.ge [sflag:s20], s18  }
0xa2: {  	s2 =	ssub.s32 $0x0, s18;
	[sflag:s20] =	ssyncset.done $0x0  }
0xa3: {  	[sflag:s20] =	ssyncadd.s32 s2;
	_ =	sdelay $0x1  }
0xa4: {  	s21 =	simm.s32 $0x1B8B  }
0xa5: {  	_ =	swait.ge [sflag:s21], $0x1  }
0xa6: {  	[sflag:s21] =	ssyncset.done $0x0  }
0xa7: {  	s23 =	simm.s32 $0x1B8E;
	s22 =	sld [smem:$0x3FFE];
	[sflag:s21] =	ssyncadd.s32 $0xFFFFFFFF  }
0xa8: {  	s24 =	simm.s32 $execute0_lowered;
	[smem:$0x3FD2] =	sst s23  }
0xa9: {  	s3 =	sshll.u32 s24, $0x1;
	_ =	strace $0x8000004C;
	[dreg:$0x1] =	wrdreg $0xFFFFFFFF  }
0xaa: {  	s25 =	simm.s32 $_size_execute0_lowered;
	s1 =	sadd.s32 s1, s3;
	[dreg:$0x0] =	wrdreg $0x0  }
0xab: {  	s3 =	sshll.u32 s25, $0x1;
	[dreg:$0x2] =	wrdreg s1  }
0xac: {  	[dreg:$0x3] =	wrdreg s3  }
0xad: {  	[dreg:$0x4] =	wrdreg $0xC0  }
0xae: {  	_ =	task [dreg:s5], $0x5FFFF  }
0xaf: {  	[dreg:$0x1] =	wrdreg $0xFFFFFFFF  }
0xb0: {  	[dreg:$0x0] =	wrdreg $0x60  }
0xb1: {  	[dreg:$0x2] =	wrdreg s22  }
0xb2: {  	[dreg:$0x3] =	wrdreg s14  }
0xb3: {  	[dreg:$0x4] =	wrdreg $0xA  }
0xb4: {  	_ =	task.clear_ibuf [dreg:s5], $0x5FFFF;
	_ =	strace $0x9000004C  }
0xb5: {  	s26 =	simm.s32 $0xA;
	_ =	strace $0x8000004E  }
0xb6: {  	_ =	swait.ge [sflag:s26], $0x1  }
0xb7: {  	[sflag:s26] =	ssyncadd.s32 $0xFFFFFFFF  }
0xb8: {  	_ =	strace $0x9000004E  }
0xb9: {  	_ =	sfence  }
0xba: {  	s28 =	sld [smem:$0x0];
	_ =	sdelay $0x1  }
0xbb: {  	s29 =	srdreg.scid  }
0xbc: {  	s30 =	sshll.u32 s29, $0xD;
	s31 =	sshrl.u32 s29, $0x2  }
0xbd: {  	s2 =	sand.u32 $0x4000, s30;
	s1 =	sand.u32 $0x1, s29;
	s0 =	sadd.s32 s31, s28  }
0xbe: {  	s1 =	sor.u32 s2, s1;
	s0 =	sshll.u32 s0, $0x11  }
0xbf: {  	s0 =	sor.u32 s0, s1  }
0xc0: {  	s0 =	sadd.s32 $0x8F2B, s0  }
0xc1: {  	[sflag:s0] =	ssyncadd.remote.s32 $0x1  }
0xc2: {  	_ =	sfence.sel $0xFFFF  }
0xc3: {  	[dreg:$0x0] =	wrdreg $0xFFFFFFFF;
	(pc) =	sbr.abs _section_cstart, $3  }
0xc4: {  	[dreg:$0x1] =	wrdreg $0xFFFFFFFF  }
0xc5: {  	_ =	task.clear_ibuf [dreg:s5], $0x2FFFF;
	_ =	strace $0x9FFFFFFF  }
0xc6: {  	(tm) =	ssettm $0x7FFFFFFF  }
0xc7: {  	_ =	shalt  }
tec
execute0_lowered:
.L_overlay_start_1:
0x0: {  	(tag) =	ssettag $0x1  }
0x1: {  	s0 =	stileid.u32  }
0x2: {  	s1 =	smin.u32 s0, $0x9  }
0x3: {  	s1 =	sadd.s32 s0, s1  }
0x4: {  	s2 =	simm.s32 $0xA0;
	p0 =	slt.u32 s0, $0x9;
	s1 =	smul.u32 $0x50, s1  }
0x5: {  	s2 =	simm.s32 @!p0 $0x50  }
0x6: {  	s2 =	sadd.s32 s2, s1  }
0x7: {  	s3 =	smin.u32 s2, $0x7D0  }
0x8: {  	s7 =	ssub.s32 s3, s1  }
0x9: {  	p0 =	sgt.s32 s7, $0x0  }
0xa: {  	s7 =	simm.s32 @!p0 $0x0  }
0xb: {  	s9 =	rddreg [dreg:$0x0];
	s31 =	smul.u32 $0xCCCD, s7  }
0xc: {  	s4 =	rddreg [dreg:$0x1];
	s6 =	simm.s32 $0x1  }
0xd: {  	s11 =	simm.s32 $0x3;
	s13 =	simm.s32 $0x0;
	s8 =	sshrl.u32 s31, $0x16  }
0xe: {  	s12 =	simm.s32 $0x0;
	s5 =	sadd.s32 $0x2600, s9;
	s10 =	smul.u32 $0x50, s8  }
.Ltmp0:
0xf: {  	s9 =	sadd.s32 $0x31400, s9;
	s2 =	rddreg [dreg:$0x2];
	(pc) =	sbr.rel .LBB2_1-.Ltmp0, $4  }
0x10: {  	_ =	strace $0x8000004D;
	p0 =	sne.s32 s7, s10;
	s10 =	simm.s32 $0x1  }
0x11: {  	[sflag:s6] =	ssyncpa.u1 $0x0;
	s7 =	simm.s32 $0x2;
	s10 =	simm.s32 @!p0 $0x0  }
0x12: {  	[sflag:s7] =	ssyncpa.u1 $0x0;
	p0 =	por $0x0, $0x0;
	s8 =	sadd.s32 s8, s10  }
0x13: {  	vm0 =	vmmov $0xff;
	vm1 =	vcmask $0x3F20;
	[sflag:s11] =	ssyncpa.u1 $0x0;
	s11 =	smov.u32 s1;
	s10 =	sadd.s32 $0x1, s8  }
.LBB2_6:
0x14: {  	[hbm:s17] =	stream.linear.scatter [tilespmem:s14], [sflag:$0x3], $0x400, $0x38;
	[tilespmem:$0x50A0] =	vst v63  }
.LBB2_7:
0x15: {  	s13 =	sadd.s32 $0x50, s11  }
0x16: {  	s15 =	smov.u32 s1;
	p2 =	slt.s32 s13, s3  }
0x17: {  	s15 =	smov.u32 @p2 s13;
	p2 =	sne.s32 s12, s10  }
.Ltmp1:
0x18: {  	p1 =	slt.u32 s12, $0x2;
	(pc) =	sbr.rel @!p2 .LBB2_8-.Ltmp1, $4  }
0x19: {  	s14 =	simm.s32 @!p1 $0x3  }
0x1a: {  	s16 =	sadd.s32 $0x1, s12;
	_ =	swait.ge @!p1 [sflag:s14], $0x2800  }
0x1b: {  	p0 =	por !p0, !p0;
	s13 =	smov.u32 s11;
	[sflag:s14] =	ssyncset.done @!p1 $0x0  }
0x1c: {  	s12 =	smov.u32 s16;
	s11 =	smov.u32 s15;
	[sflag:s14] =	ssyncadd.s32 @!p1 $0xFFFFD800  }
.LBB2_1:
0x1d: {  	p1 =	sge.u32 s12, s8  }
0x1e: {  	s14 =	sxor.u32 @!p1 $0xFFFFFFFF, s12  }
0x1f: {  	s14 =	sand.u32 @!p1 $0x1, s14  }
0x20: {  	s14 =	smul.u32 @!p1 $0x140, s14  }
0x21: {  	s31 =	sadd.s32 $0xFFFFFFFF, s12;
	s15 =	sshrl.u32 @!p1 s11, $0x3  }
0x22: {  	s16 =	sand.u32 @!p1 $0x7, s11;
	s15 =	sadd.s32 @!p1 s4, s15;
	s14 =	sshrl.u32 @!p1 s14, $0x2  }
0x23: {  	[tilespmem:s14], [sflag:$0x2] =	stream.linear.gather @!p1 [hbm4b:s15+s16], $0x50, $0x38;
	[tilespmem:$0x50A0] =	vst v63  }
0x24: {  	p1 =	sge.u32 s31, s8  }
.Ltmp2:
0x25: {  	_ = 	snop;
	(pc) =	sbr.rel @p1 .LBB2_7-.Ltmp2, $1  }
0x26: {  	_ =	sdelay $0x3  }
0x27: {  	s14 =	simm.s32 $0x1  }
0x28: {  	s14 =	simm.s32 @!p0 $0x0  }
0x29: {  	s15 =	smul.u32 $0x140, s14  }
0x2a: {  	_ =	swait.ge [sflag:s7], $0x50  }
0x2b: {  	[sflag:s7] =	ssyncset.done $0x0;
	s16 =	sshrl.u32 s15, $0x2  }
0x2c: {  	[sflag:s7] =	ssyncadd.s32 $0xFFFFFFB0;
	s15 =	sadd.s32 $0x0, s16  }
0x2d: {  	v0 =	vld.msk [tilespmem:s15+$0x0 ss:$0x1], $0xffff;
	_ =	sdelay $0x4  }
0x2e: {  	vm2 =	vgt.s32 v0, $0x0  }
0x2f: {  	v0 =	vnsel vm2, $0x0, v0  }
0x30: {  	v0 =	vmin.u32 v0, $0x2EDF  }
0x31: {  	v0 =	vshll.u32 v0, $0x4  }
0x32: {  	s14 =	smul.u32 $0xA000, s14;
	_ =	sdelay $0x1  }
0x33: {  	s14 =	sshrl.u32 s14, $0x2  }
0x34: {  	s14 =	sor.u32 $0xA0, s14  }
0x35: {  	[tilespmem:s14], [sflag:$0x1] =	stream.indirect_vreg.gather [hbm:s5], $0x80, v0, vm0, $0x38;
	[tilespmem:$0x50A0] =	vst v63  }
0x36: {  	s17 =	sadd.s32 $0x10, s16;
	s15 =	sadd.s32 $0x400, s14  }
0x37: {  	[tilespmem:s15], [sflag:$0x1] =	stream.indirect_vreg.gather [hbm:s5], $0x80, v0, vm1, $0x38;
	[tilespmem:$0x50A0] =	vst v63  }
0x38: {  	s18 =	simm.s32 $0x80;
	v0 =	vld.msk [tilespmem:s17+$0x0 ss:$0x1], $0xffff;
	s17 =	smov.u32 s14  }
.LBB2_3:
0x39: {  	p1 =	sne.s32 s18, $0x100;
	_ =	sdelay $0x4  }
0x3a: {  	vm2 =	vgt.s32 v0, $0x0  }
0x3b: {  	v0 =	vnsel vm2, $0x0, v0  }
0x3c: {  	v0 =	vmin.u32 v0, $0x2EDF  }
0x3d: {  	v0 =	vshll.u32 v0, $0x4;
	_ =	sdelay $0x3  }
.Ltmp3:
0x3e: {  	s19 =	sshra.s32 s18, $0x2;
	s17 =	sadd.s32 $0x800, s17;
	(pc) =	sbr.rel @p1 .LBB2_3-.Ltmp3, $4  }
0x3f: {  	[tilespmem:s17], [sflag:$0x1] =	stream.indirect_vreg.gather [hbm:s5], $0x80, v0, vm0, $0x38;
	[tilespmem:$0x50A0] =	vst v63  }
0x40: {  	s19 =	sadd.s32 s19, s16;
	s20 =	sadd.s32 $0x400, s17  }
0x41: {  	[tilespmem:s20], [sflag:$0x1] =	stream.indirect_vreg.gather [hbm:s5], $0x80, v0, vm1, $0x38;
	[tilespmem:$0x50A0] =	vst v63  }
0x42: {  	s18 =	sadd.s32 $0x40, s18;
	v0 =	vld.msk [tilespmem:s19+$0x0 ss:$0x1], $0xffff  }
0x43: {  	_ =	sdelay $0x3  }
0x44: {  	vm2 =	vgt.s32 v0, $0x0  }
0x45: {  	v0 =	vnsel vm2, $0x0, v0  }
0x46: {  	v0 =	vmin.u32 v0, $0x2EDF  }
0x47: {  	v0 =	vshll.u32 v0, $0x4;
	_ =	sdelay $0x3  }
0x48: {  	s16 =	sadd.s32 $0x800, s17  }
0x49: {  	[tilespmem:s16], [sflag:$0x1] =	stream.indirect_vreg.gather [hbm:s5], $0x80, v0, vm0, $0x38;
	[tilespmem:$0x50A0] =	vst v63  }
0x4a: {  	s16 =	sadd.s32 $0x400, s16  }
0x4b: {  	[tilespmem:s16], [sflag:$0x1] =	stream.indirect_vreg.gather [hbm:s5], $0x80, v0, vm1, $0x38;
	[tilespmem:$0x50A0] =	vst v63  }
0x4c: {  	s13 =	sshll.u32 s13, $0x4;
	_ =	swait.ge [sflag:s6], $0x2800  }
0x4d: {  	s13 =	sadd.s32 s13, s9;
	[sflag:s6] =	ssyncset.done $0x0  }
0x4e: {  	s17 =	sadd.s32 $0x0, s13;
	s16 =	simm.s32 $0x80;
	[sflag:s6] =	ssyncadd.s32 $0xFFFFD800  }
.LBB2_5:
0x4f: {  	[hbm:s17] =	stream.linear.scatter [tilespmem:s14], [sflag:$0x3], $0x400, $0x38;
	[tilespmem:$0x50A0] =	vst v63  }
0x50: {  	s17 =	smov.u32 s16;
	s14 =	smov.u32 s15;
	p1 =	sne.s32 s16, $0x480  }
.Ltmp4:
0x51: {  	s16 =	sadd.s32 $0x80, s16;
	(pc) =	sbr.rel @p1 .LBB2_5-.Ltmp4, $2  }
0x52: {  	_ =	sdelay $0x2  }
0x53: {  	s15 =	sadd.s32 $0x400, s15;
	s17 =	sadd.s32 s17, s13  }
.Ltmp5:
0x54: {  	_ = 	snop;
	(pc) =	sbr.rel .LBB2_6-.Ltmp5, $1  }
0x55: {  	_ =	sdelay $0x3  }
.LBB2_8:
0x56: {  	_ =	sfence.sel $0x180000  }
0x57: {  	s1 =	simm.s32 $0x2;
	[bflag:$0x0] =	sbarrier.arrive $0xFFFF  }
0x58: {  	s30 =	simm.s32 $0x3;
	[sflag:s1] =	ssyncpa.u1 $0x1  }
0x59: {  	s31 =	simm.s32 $0x1;
	[sflag:s30] =	ssyncpa.u1 $0x1  }
0x5a: {  	[sflag:s31] =	ssyncpa.u1 $0x1  }
0x5b: {  	p0 =	sne.s32 s0, $0x0;
	_ =	strace $0x9000004D  }
0x5c: {  	s0 =	sadd.s32 @!p0 $0x100000, s2;
	[bflag:$0x2] =	sbarrier.arrive $0xFFFF  }
0x5d: {  	[sflag:s0] =	ssyncadd.tile.s32 @!p0 $0x1;
	_ =	shalt  }
.Lfunc_end2:
_tile_overlayer_lowered:
.L_overlay_start_2:
0x5e: {  	(tag) =	ssettag $0x2  }
0x5f: {  	s0 =	rddreg [dreg:$0x0];
	s2 =	stileid.u32  }
0x60: {  	s1 =	rddreg [dreg:$0x1];
	p0 =	sne.s32 s2, $0x0  }
0x61: {  	s3 =	rddreg [dreg:$0x2];
	[bflag:$0x3] =	sbarrier.arrive $0xFFFF;
	s2 =	simm.s32 @!p0 $0x1C01  }
0x62: {  	[timem:s3], [sflag:s2] =	dma.local @!p0 [hbm:s0], s1  }
0x63: {  	s0 =	simm.s32 @!p0 $0x1  }
0x64: {  	_ =	swait.ge @!p0 [sflag:s0], s1  }
0x65: {  	s1 =	ssub.s32 @!p0 $0x0, s1;
	[sflag:s0] =	ssyncset.done @!p0 $0x0  }
0x66: {  	[sflag:s0] =	ssyncadd.s32 @!p0 s1  }
0x67: {  	[bflag:$0x3] =	sbarrier.arrive $0xFFFF  }
0x68: {  	_ =	shalt  }

// kernel: gather_offload_async_start
scs
__scs_entry_jumppad:
0x0: {  	(pc) =	sbr.rel $0x88, $3  }
0x1: {  	(tag) =	ssettag $0x0;
	lr =	simm.s32 $0x1  }
0x2: {  	[smem:$0x3F99] =	sst lr;
	_ =	strace $0xD0000000  }
0x3: {  	_ = 	snop  }
0x4: {  	_ = 	snop  }
0x5: {  	_ = 	snop  }
0x6: {  	_ = 	snop  }
0x7: {  	_ = 	snop  }
__scs_overlays_trampoline_lowered:
0x8: {  	[smem:$0x3FA8] =	sst s0  }
0x9: {  	[smem:$0x3FA9] =	sst s1  }
0xa: {  	[smem:$0x3FAA] =	sst s2  }
0xb: {  	[smem:$0x3FAB] =	sst s3  }
0xc: {  	[smem:$0x3FAC] =	sst s4  }
0xd: {  	[smem:$0x3FAD] =	sst s5  }
0xe: {  	[smem:$0x3FAE] =	sst s6  }
0xf: {  	[smem:$0x3FAF] =	sst s7  }
0x10: {  	[smem:$0x3FB0] =	sst s8  }
0x11: {  	[smem:$0x3FB1] =	sst s9;
	s0 =	simm.s32 @!p0 $0x0  }
0x12: {  	s1 =	sld [smem:$0x3F97];
	s0 =	simm.s32 @p0 $0x1  }
0x13: {  	[smem:$0x3FB2] =	sst s0;
	s0 =	simm.s32 @!p1 $0x0  }
0x14: {  	s2 =	sld [smem:$0x3F96];
	s0 =	simm.s32 @p1 $0x1  }
0x15: {  	[smem:$0x3FB3] =	sst s0;
	s0 =	simm.s32 @!p2 $0x0  }
0x16: {  	s3 =	sld [smem:$0x3FDB];
	s0 =	simm.s32 @p2 $0x1  }
0x17: {  	s4 =	simm.s32 $0x1BF5;
	[smem:$0x3FB5] =	sst s0  }
0x18: {  	s0 =	sld [smem:$0x3F98];
	_ =	swait.ge [sflag:s4], $0x0  }
0x19: {  	s7 =	sld [smem:$0x3F99]  }
0x1a: {  	s8 =	sadd.s32 $0xFFFFE003, lr  }
0x1b: {  	s9 =	sadd.s32 $0xFFFFFEF7, lr;
	s5 =	simm.s32 $0xFFFFFFFF;
	p2 =	slt.u32 s8, $0xFFFFF086  }
0x1c: {  	p1 =	slt.u32 s9, $0xF7A;
	s5 =	simm.s32 @!p2 $0x0  }
0x1d: {  	s5 =	simm.s32 @p1 $0x1;
	p0 =	seq.s32 s7, s2  }
0x1e: {  	s7 =	smul.u32 @!p0 $0xF7A, s2;
	p2 =	seq.s32 @!p0 s5, $0x0  }
0x1f: {  	s9 =	smul.u32 $0xF7A, s1;
	s8 =	simm.s32 @!p0 $0x1BF5;
	p2 =	por !p2, p0  }
0x20: {  	[sflag:s8] =	ssyncset.s32 @!p0 $0xFFFFF086;
	s6 =	sadd.s32 @!p0 s3, s7;
	s7 =	simm.s32 @!p0 $0x108  }
0x21: {  	s3 =	sadd.s32 s3, s9;
	s6 =	sadd.s32 @!p0 $0x88, s6;
	s7 =	simm.s32 @p2 $0x1082  }
0x22: {  	[simem:s7], [sflag:s8] =	dma.local @!p0 [hbm:s6], $0xF7A  }
0x23: {  	s9 =	sor.u32 $0xD0000000, s2;
	s6 =	simm.s32 $0x108;
	_ =	swait.ge @!p0 [sflag:s8], $0x0  }
0x24: {  	s3 =	sadd.s32 $0x88, s3;
	s6 =	simm.s32 @!p1 $0x1082;
	[sflag:s4] =	ssyncset.s32 $0xFFFFF086  }
0x25: {  	[simem:s6], [sflag:s4] =	dma.local [hbm:s3], $0xF7A  }
0x26: {  	[smem:$0x3F99] =	sst s1;
	(tag) =	ssettag s2;
	_ =	strace s9  }
0x27: {  	s1 =	sld [smem:$0x3FA9]  }
0x28: {  	s2 =	sld [smem:$0x3FAA]  }
0x29: {  	s4 =	sld [smem:$0x3FAC]  }
0x2a: {  	p0 =	seq.s32 s5, $0x0;
	s5 =	sld [smem:$0x3FAD]  }
0x2b: {  	s6 =	sld [smem:$0x3FAE]  }
0x2c: {  	s7 =	sld [smem:$0x3FAF]  }
0x2d: {  	s3 =	simm.s32 $0x108;
	s8 =	sld [smem:$0x3FB0]  }
0x2e: {  	s3 =	simm.s32 @!p0 $0x1082;
	s9 =	sld [smem:$0x3FB1]  }
0x2f: {  	lr =	sadd.s32 s0, s3;
	s0 =	sld [smem:$0x3FA8]  }
0x30: {  	s3 =	sld [smem:$0x3FAB]  }
0x31: {  	[smem:$0x3FB4] =	sst s10  }
0x32: {  	s10 =	sld [smem:$0x3FB2];
	_ =	sdelay $0x3  }
0x33: {  	p0 =	seq.s32 s10, $0x1;
	s10 =	sld [smem:$0x3FB4];
	_ =	sdelay $0x3  }
0x34: {  	[smem:$0x3FB4] =	sst s10  }
0x35: {  	s10 =	sld [smem:$0x3FB3];
	_ =	sdelay $0x3  }
0x36: {  	p1 =	seq.s32 s10, $0x1;
	s10 =	sld [smem:$0x3FB4];
	_ =	sdelay $0x3  }
0x37: {  	[smem:$0x3FB4] =	sst s10  }
0x38: {  	s10 =	sld [smem:$0x3FB5]  }
0x39: {  	_ = 	snop;
	(pc) =	sbr.ind lr, $3  }
0x3a: {  	_ = 	snop  }
0x3b: {  	_ = 	snop  }
0x3c: {  	p2 =	seq.s32 s10, $0x1;
	s10 =	sld [smem:$0x3FB4]  }
0x3d: {  	_ =	shalt  }
0x3e: {  	_ =	shalt  }
0x3f: {  	_ =	shalt  }
0x40: {  	_ =	shalt  }
0x41: {  	_ =	shalt  }
0x42: {  	_ =	shalt  }
0x43: {  	_ =	shalt  }
0x44: {  	_ =	shalt  }
0x45: {  	_ =	shalt  }
0x46: {  	_ =	shalt  }
0x47: {  	_ =	shalt  }
0x48: {  	_ =	shalt  }
0x49: {  	_ =	shalt  }
0x4a: {  	_ =	shalt  }
0x4b: {  	_ =	shalt  }
0x4c: {  	_ =	shalt  }
0x4d: {  	_ =	shalt  }
0x4e: {  	_ =	shalt  }
0x4f: {  	_ =	shalt  }
0x50: {  	_ =	shalt  }
0x51: {  	_ =	shalt  }
0x52: {  	_ =	shalt  }
0x53: {  	_ =	shalt  }
0x54: {  	_ =	shalt  }
0x55: {  	_ =	shalt  }
0x56: {  	_ =	shalt  }
0x57: {  	_ =	shalt  }
0x58: {  	_ =	shalt  }
0x59: {  	_ =	shalt  }
0x5a: {  	_ =	shalt  }
0x5b: {  	_ =	shalt  }
0x5c: {  	_ =	shalt  }
0x5d: {  	_ =	shalt  }
0x5e: {  	_ =	shalt  }
0x5f: {  	_ =	shalt  }
0x60: {  	_ =	shalt  }
0x61: {  	_ =	shalt  }
0x62: {  	_ =	shalt  }
0x63: {  	_ =	shalt  }
0x64: {  	_ =	shalt  }
0x65: {  	_ =	shalt  }
0x66: {  	_ =	shalt  }
0x67: {  	_ =	shalt  }
0x68: {  	_ =	shalt  }
0x69: {  	_ =	shalt  }
0x6a: {  	_ =	shalt  }
0x6b: {  	_ =	shalt  }
0x6c: {  	_ =	shalt  }
0x6d: {  	_ =	shalt  }
0x6e: {  	_ =	shalt  }
0x6f: {  	_ =	shalt  }
0x70: {  	_ =	shalt  }
0x71: {  	_ =	shalt  }
0x72: {  	_ =	shalt  }
0x73: {  	_ =	shalt  }
0x74: {  	_ =	shalt  }
0x75: {  	_ =	shalt  }
0x76: {  	_ =	shalt  }
0x77: {  	_ =	shalt  }
0x78: {  	_ =	shalt  }
0x79: {  	_ =	shalt  }
0x7a: {  	_ =	shalt  }
0x7b: {  	_ =	shalt  }
0x7c: {  	_ =	shalt  }
0x7d: {  	_ =	shalt  }
0x7e: {  	_ =	shalt  }
0x7f: {  	_ =	shalt  }
0x80: {  	_ =	shalt  }
0x81: {  	_ =	shalt  }
0x82: {  	_ =	shalt  }
0x83: {  	_ =	shalt  }
0x84: {  	_ =	shalt  }
0x85: {  	_ =	shalt  }
0x86: {  	_ =	shalt  }
0x87: {  	_ =	shalt  }
.Lfunc_end0:
.L_simem_size_0:
called_computation.2_lowered:
.L_overlay_start_0:
0x88: {  	s2 =	sld [smem:$0x3FD9]  }
0x89: {  	s3 =	sld [smem:$0x3FFE];
	_ =	sdelay $0x1  }
0x8a: {  	s1 =	srdreg.scid  }
0x8b: {  	s0 =	sand.u32 $0x1, s1  }
0x8c: {  	s16 =	sshll.u32 s0, $0xA;
	s2 =	sadd.s32 s3, s2  }
0x8d: {  	s2 =	sadd.s32 s2, s16  }
0x8e: {  	[smem:$0x3FC0] =	sst s2  }
0x8f: {  	_ = 	snop  }
0x90: {  	(tm) =	ssettm $0x1  }
0x91: {  	s17 =	sld [smem:$0x3FFB];
	_ =	sdelay $0x3  }
0x92: {  	_ =	strace s17  }
0x93: {  	s2 =	sld [smem:$0x3FFC];
	_ =	sdelay $0x3  }
0x94: {  	_ =	strace s2  }
0x95: {  	s2 =	sld [smem:$0x3FFD];
	_ =	sdelay $0x3  }
0x96: {  	_ =	strace s2  }
0x97: {  	_ =	strace $0x8FFFFFFF  }
0x98: {  	s18 =	sld [smem:$0x3FDB];
	_ =	sdelay $0x1  }
0x99: {  	s19 =	simm.s32 $_scs_section_size  }
0x9a: {  	s4 =	simm.s32 $_size__tile_overlayer_lowered;
	s5 =	simm.s32 $_tile_overlayer_lowered  }
0x9b: {  	s22 =	simm.s32 $0x1BFF;
	s21 =	sshll.u32 s5, $0x1;
	s2 =	sadd.s32 s19, s18  }
0x9c: {  	s6 =	simm.s32 $0x0;
	s20 =	sshll.u32 s4, $0x1;
	s4 =	sadd.s32 s21, s2  }
0x9d: {  	[timem:s6], [sflag:s22] =	dma.local [hbm:s4], s20  }
0x9e: {  	_ =	swait.ge [sflag:s22], s20  }
0x9f: {  	s3 =	ssub.s32 $0x0, s20;
	[sflag:s22] =	ssyncset.done $0x0  }
0xa0: {  	[sflag:s22] =	ssyncadd.s32 s3;
	_ =	sdelay $0x1  }
0xa1: {  	s23 =	simm.s32 $0x1B8B  }
0xa2: {  	_ =	swait.ge [sflag:s23], $0x1  }
0xa3: {  	[sflag:s23] =	ssyncset.done $0x0  }
0xa4: {  	s25 =	simm.s32 $0x1B8E;
	s24 =	sld [smem:$0x3FFE];
	[sflag:s23] =	ssyncadd.s32 $0xFFFFFFFF  }
0xa5: {  	s26 =	simm.s32 $execute0_lowered;
	[smem:$0x3FD2] =	sst s25  }
0xa6: {  	s4 =	sshll.u32 s26, $0x1;
	_ =	strace $0x80000046;
	[dreg:$0x1] =	wrdreg $0xFFFFFFFF  }
0xa7: {  	s28 =	simm.s32 $_size_execute0_lowered;
	s2 =	sadd.s32 s2, s4;
	[dreg:$0x0] =	wrdreg $0x0  }
0xa8: {  	s4 =	sshll.u32 s28, $0x1;
	[dreg:$0x2] =	wrdreg s2  }
0xa9: {  	[dreg:$0x3] =	wrdreg s4  }
0xaa: {  	[dreg:$0x4] =	wrdreg $0xC0  }
0xab: {  	_ =	task [dreg:s6], $0x5FFFF  }
0xac: {  	[dreg:$0x1] =	wrdreg $0xFFFFFFFF  }
0xad: {  	[dreg:$0x0] =	wrdreg $0x60  }
0xae: {  	[dreg:$0x2] =	wrdreg s24  }
0xaf: {  	[dreg:$0x3] =	wrdreg $0xA  }
0xb0: {  	_ =	task.clear_ibuf [dreg:s6], $0x4FFFF;
	_ =	strace $0x90000046  }
0xb1: {  	s29 =	simm.s32 $0xA;
	_ =	strace $0x80000048  }
0xb2: {  	_ =	swait.ge [sflag:s29], $0x1  }
0xb3: {  	[sflag:s29] =	ssyncadd.s32 $0xFFFFFFFF  }
0xb4: {  	_ =	strace $0x90000048  }
0xb5: {  	_ =	sfence  }
0xb6: {  	s30 =	sld [smem:$0x0];
	_ =	sdelay $0x2  }
0xb7: {  	s31 =	sshll.u32 s1, $0xD;
	s1 =	sshrl.u32 s1, $0x2  }
0xb8: {  	s3 =	sand.u32 $0x4000, s31;
	s1 =	sadd.s32 s1, s30  }
0xb9: {  	s0 =	sor.u32 s3, s0;
	s1 =	sshll.u32 s1, $0x11  }
0xba: {  	s0 =	sor.u32 s1, s0  }
0xbb: {  	s0 =	sadd.s32 $0x8F2B, s0  }
0xbc: {  	[sflag:s0] =	ssyncadd.remote.s32 $0x1  }
0xbd: {  	_ =	sfence.sel $0xFFFF  }
0xbe: {  	[dreg:$0x0] =	wrdreg $0xFFFFFFFF;
	(pc) =	sbr.abs _section_cstart, $3  }
0xbf: {  	[dreg:$0x1] =	wrdreg $0xFFFFFFFF  }
0xc0: {  	_ =	task.clear_ibuf [dreg:s6], $0x2FFFF;
	_ =	strace $0x9FFFFFFF  }
0xc1: {  	(tm) =	ssettm $0x7FFFFFFF  }
tec
execute0_lowered:
.L_overlay_start_1:
0x0: {  	(tag) =	ssettag $0x1  }
0x1: {  	s0 =	srdreg.scid  }
0x2: {  	s1 =	sshll.u32 s0, $0x4  }
0x3: {  	s0 =	stileid.u32;
	s1 =	sand.u32 $0x10, s1  }
0x4: {  	s2 =	sor.u32 s0, s1  }
0x5: {  	s1 =	smin.u32 s2, $0x1C  }
0x6: {  	s1 =	sadd.s32 s2, s1  }
0x7: {  	p0 =	slt.u32 s2, $0x1C;
	s2 =	simm.s32 $0x190;
	s1 =	smul.u32 $0xC8, s1  }
0x8: {  	s2 =	simm.s32 @!p0 $0xC8  }
0x9: {  	s2 =	sadd.s32 s2, s1  }
0xa: {  	s3 =	smin.u32 s2, $0x2EE0  }
0xb: {  	s7 =	ssub.s32 s3, s1  }
0xc: {  	p0 =	sgt.s32 s7, $0x0  }
0xd: {  	s7 =	simm.s32 @!p0 $0x0  }
0xe: {  	s31 =	sand.u32 $0xFFF8, s7  }
0xf: {  	s2 =	sshrl.u32 s31, $0x3  }
0x10: {  	s2 =	smul.u32 $0x147B, s2  }
0x11: {  	s9 =	rddreg [dreg:$0x0];
	s6 =	simm.s32 $0x1;
	s11 =	simm.s32 $0x3  }
0x12: {  	s13 =	simm.s32 $0x0;
	s12 =	simm.s32 $0x0;
	s8 =	sshrl.u32 s2, $0x11  }
0x13: {  	s4 =	sadd.s32 $0x4A000, s9;
	s5 =	sadd.s32 $0x2000, s9;
	s10 =	smul.u32 $0xC8, s8  }
.Ltmp0:
0x14: {  	s9 =	sadd.s32 $0x2600, s9;
	s2 =	rddreg [dreg:$0x1];
	(pc) =	sbr.rel .LBB2_1-.Ltmp0, $4  }
0x15: {  	_ =	strace $0x80000047;
	p0 =	sne.s32 s7, s10;
	s10 =	simm.s32 $0x1  }
0x16: {  	[sflag:s6] =	ssyncpa.u1 $0x0;
	s7 =	simm.s32 $0x2;
	s10 =	simm.s32 @!p0 $0x0  }
0x17: {  	[sflag:s7] =	ssyncpa.u1 $0x0;
	p0 =	por $0x0, $0x0;
	s8 =	sadd.s32 s8, s10  }
0x18: {  	vm0 =	vmmov $0xff;
	vm1 =	vcmask $0x3F20;
	[sflag:s11] =	ssyncpa.u1 $0x0;
	s11 =	smov.u32 s1;
	s10 =	sadd.s32 $0x1, s8  }
.LBB2_6:
0x19: {  	[hbm:s17] =	stream.linear.scatter [tilespmem:s14], [sflag:$0x3], $0x400, $0x38;
	[tilespmem:$0xC990] =	vst v63  }
.LBB2_7:
0x1a: {  	s13 =	sadd.s32 $0xC8, s11  }
0x1b: {  	s15 =	smov.u32 s1;
	p2 =	slt.s32 s13, s3  }
0x1c: {  	s15 =	smov.u32 @p2 s13;
	p2 =	sne.s32 s12, s10  }
.Ltmp1:
0x1d: {  	p1 =	slt.u32 s12, $0x2;
	(pc) =	sbr.rel @!p2 .LBB2_8-.Ltmp1, $4  }
0x1e: {  	s14 =	simm.s32 @!p1 $0x3  }
0x1f: {  	s16 =	sadd.s32 $0x1, s12;
	_ =	swait.ge @!p1 [sflag:s14], $0x6400  }
0x20: {  	p0 =	por !p0, !p0;
	s13 =	smov.u32 s11;
	[sflag:s14] =	ssyncset.done @!p1 $0x0  }
0x21: {  	s12 =	smov.u32 s16;
	s11 =	smov.u32 s15;
	[sflag:s14] =	ssyncadd.s32 @!p1 $0xFFFF9C00  }
.LBB2_1:
0x22: {  	p1 =	sge.u32 s12, s8  }
0x23: {  	s14 =	sxor.u32 @!p1 $0xFFFFFFFF, s12  }
0x24: {  	s14 =	sand.u32 @!p1 $0x1, s14  }
0x25: {  	s14 =	smul.u32 @!p1 $0x320, s14  }
0x26: {  	s31 =	sadd.s32 $0xFFFFFFFF, s12;
	s15 =	sshrl.u32 @!p1 s11, $0x3  }
0x27: {  	s16 =	sand.u32 @!p1 $0x7, s11;
	s15 =	sadd.s32 @!p1 s5, s15;
	s14 =	sshrl.u32 @!p1 s14, $0x2  }
0x28: {  	[tilespmem:s14], [sflag:$0x2] =	stream.linear.gather @!p1 [hbm4b:s15+s16], $0xC8, $0x38;
	[tilespmem:$0xC990] =	vst v63  }
0x29: {  	p1 =	sge.u32 s31, s8  }
.Ltmp2:
0x2a: {  	_ = 	snop;
	(pc) =	sbr.rel @p1 .LBB2_7-.Ltmp2, $1  }
0x2b: {  	_ =	sdelay $0x3  }
0x2c: {  	s14 =	simm.s32 $0x1  }
0x2d: {  	s14 =	simm.s32 @!p0 $0x0  }
0x2e: {  	s15 =	smul.u32 $0x320, s14  }
0x2f: {  	_ =	swait.ge [sflag:s7], $0xC8  }
0x30: {  	[sflag:s7] =	ssyncset.done $0x0;
	s16 =	sshrl.u32 s15, $0x2  }
0x31: {  	[sflag:s7] =	ssyncadd.s32 $0xFFFFFF38;
	s15 =	sadd.s32 $0x0, s16  }
0x32: {  	v0 =	vld.msk [tilespmem:s15+$0x0 ss:$0x1], $0xffff;
	_ =	sdelay $0x4  }
0x33: {  	vm2 =	vgt.s32 v0, $0x0  }
0x34: {  	v0 =	vnsel vm2, $0x0, v0  }
0x35: {  	v0 =	vmin.u32 v0, $0x8FFF  }
0x36: {  	v0 =	vshll.u32 v0, $0x4  }
0x37: {  	s14 =	smul.u32 $0x19000, s14  }
0x38: {  	s31 =	sand.u32 $0x1, s12  }
0x39: {  	s17 =	smul.u32 $0x320, s31;
	s14 =	sshrl.u32 s14, $0x2  }
0x3a: {  	s19 =	smul.u32 $0x19000, s31;
	s14 =	sor.u32 $0x190, s14  }
0x3b: {  	[tilespmem:s14], [sflag:$0x1] =	stream.indirect_vreg.gather [hbm:s4], $0x80, v0, vm0, $0x38;
	[tilespmem:$0xC990] =	vst v63  }
0x3c: {  	s18 =	sshrl.u32 s17, $0x2;
	s20 =	sadd.s32 $0x10, s16;
	s15 =	sadd.s32 $0x400, s14  }
0x3d: {  	[tilespmem:s15], [sflag:$0x1] =	stream.indirect_vreg.gather [hbm:s4], $0x80, v0, vm1, $0x38;
	[tilespmem:$0xC990] =	vst v63  }
0x3e: {  	s17 =	sshrl.u32 s19, $0x2;
	s19 =	smov.u32 s14;
	v0 =	vld.msk [tilespmem:s20+$0x0 ss:$0x1], $0xffff;
	s20 =	simm.s32 $0x80  }
.LBB2_3:
0x3f: {  	p1 =	sne.s32 s20, $0x2C0;
	_ =	sdelay $0x4  }
0x40: {  	vm2 =	vgt.s32 v0, $0x0  }
0x41: {  	v0 =	vnsel vm2, $0x0, v0  }
0x42: {  	v0 =	vmin.u32 v0, $0x8FFF  }
0x43: {  	v0 =	vshll.u32 v0, $0x4;
	_ =	sdelay $0x3  }
.Ltmp3:
0x44: {  	s21 =	sshra.s32 s20, $0x2;
	s19 =	sadd.s32 $0x800, s19;
	(pc) =	sbr.rel @p1 .LBB2_3-.Ltmp3, $4  }
0x45: {  	[tilespmem:s19], [sflag:$0x1] =	stream.indirect_vreg.gather [hbm:s4], $0x80, v0, vm0, $0x38;
	[tilespmem:$0xC990] =	vst v63  }
0x46: {  	s21 =	sadd.s32 s21, s16;
	s22 =	sadd.s32 $0x400, s19  }
0x47: {  	[tilespmem:s22], [sflag:$0x1] =	stream.indirect_vreg.gather [hbm:s4], $0x80, v0, vm1, $0x38;
	[tilespmem:$0xC990] =	vst v63  }
0x48: {  	s20 =	sadd.s32 $0x40, s20;
	v0 =	vld.msk [tilespmem:s21+$0x0 ss:$0x1], $0xffff  }
0x49: {  	_ =	sdelay $0x3  }
0x4a: {  	vm2 =	vgt.s32 v0, $0x0  }
0x4b: {  	v0 =	vnsel vm2, $0x0, v0  }
0x4c: {  	v0 =	vmin.u32 v0, $0x8FFF  }
0x4d: {  	v0 =	vshll.u32 v0, $0x4;
	_ =	sdelay $0x3  }
0x4e: {  	s16 =	sadd.s32 $0x800, s19  }
0x4f: {  	[tilespmem:s16], [sflag:$0x1] =	stream.indirect_vreg.gather [hbm:s4], $0x80, v0, vm0, $0x38;
	[tilespmem:$0xC990] =	vst v63  }
0x50: {  	s16 =	sadd.s32 $0x400, s16  }
0x51: {  	[tilespmem:s16], [sflag:$0x1] =	stream.indirect_vreg.gather [hbm:s4], $0x80, v0, vm1, $0x38;
	[tilespmem:$0xC990] =	vst v63  }
0x52: {  	v0 =	vld.msk [tilespmem:s18+$0xC0 ss:$0x1], $0xff;
	_ =	sdelay $0x4  }
0x53: {  	vm2 =	vgt.s32 v0, $0x0  }
0x54: {  	v0 =	vnsel vm2, $0x0, v0  }
0x55: {  	v0 =	vmin.u32 v0, $0x8FFF  }
0x56: {  	v0 =	vshll.u32 v0, $0x4;
	_ =	sdelay $0x3  }
0x57: {  	s31 =	sadd.s32 $0x6190, s17  }
0x58: {  	[tilespmem:s31], [sflag:$0x1] =	stream.indirect_vreg.gather [hbm:s4], $0x80, v0, vm0, $0x38;
	[tilespmem:$0xC990] =	vst v63  }
0x59: {  	s13 =	sshll.u32 s13, $0x4;
	_ =	swait.ge [sflag:s6], $0x6400  }
0x5a: {  	s13 =	sadd.s32 s13, s9;
	[sflag:s6] =	ssyncset.done $0x0  }
0x5b: {  	s17 =	sadd.s32 $0x0, s13;
	s16 =	simm.s32 $0x80;
	[sflag:s6] =	ssyncadd.s32 $0xFFFF9C00  }
.LBB2_5:
0x5c: {  	[hbm:s17] =	stream.linear.scatter [tilespmem:s14], [sflag:$0x3], $0x400, $0x38;
	[tilespmem:$0xC990] =	vst v63  }
0x5d: {  	s17 =	smov.u32 s16;
	s14 =	smov.u32 s15;
	p1 =	sne.s32 s16, $0xC00  }
.Ltmp4:
0x5e: {  	s16 =	sadd.s32 $0x80, s16;
	(pc) =	sbr.rel @p1 .LBB2_5-.Ltmp4, $2  }
0x5f: {  	_ =	sdelay $0x2  }
0x60: {  	s15 =	sadd.s32 $0x400, s15;
	s17 =	sadd.s32 s17, s13  }
.Ltmp5:
0x61: {  	_ = 	snop;
	(pc) =	sbr.rel .LBB2_6-.Ltmp5, $1  }
0x62: {  	_ =	sdelay $0x3  }
.LBB2_8:
0x63: {  	_ =	sfence.sel $0x180000  }
0x64: {  	s1 =	simm.s32 $0x2;
	[bflag:$0x0] =	sbarrier.arrive $0xFFFF  }
0x65: {  	s30 =	simm.s32 $0x3;
	[sflag:s1] =	ssyncpa.u1 $0x1  }
0x66: {  	s31 =	simm.s32 $0x1;
	[sflag:s30] =	ssyncpa.u1 $0x1  }
0x67: {  	[sflag:s31] =	ssyncpa.u1 $0x1  }
0x68: {  	p0 =	sne.s32 s0, $0x0;
	_ =	strace $0x90000047  }
0x69: {  	s0 =	sadd.s32 @!p0 $0x100000, s2;
	[bflag:$0x2] =	sbarrier.arrive $0xFFFF  }
0x6a: {  	[sflag:s0] =	ssyncadd.tile.s32 @!p0 $0x1;
	_ =	shalt  }
.Lfunc_end2:
_tile_overlayer_lowered:
.L_overlay_start_2:
0x6b: {  	(tag) =	ssettag $0x2  }
0x6c: {  	s0 =	rddreg [dreg:$0x0];
	s2 =	stileid.u32  }
0x6d: {  	s1 =	rddreg [dreg:$0x1];
	p0 =	sne.s32 s2, $0x0  }
0x6e: {  	s3 =	rddreg [dreg:$0x2];
	[bflag:$0x3] =	sbarrier.arrive $0xFFFF;
	s2 =	simm.s32 @!p0 $0x1C01  }
0x6f: {  	[timem:s3], [sflag:s2] =	dma.local @!p0 [hbm:s0], s1  }
0x70: {  	s0 =	simm.s32 @!p0 $0x1  }
0x71: {  	_ =	swait.ge @!p0 [sflag:s0], s1  }
0x72: {  	s1 =	ssub.s32 @!p0 $0x0, s1;
	[sflag:s0] =	ssyncset.done @!p0 $0x0  }
0x73: {  	[sflag:s0] =	ssyncadd.s32 @!p0 s1  }
0x74: {  	[bflag:$0x3] =	sbarrier.arrive $0xFFFF  }
0x75: {  	_ =	shalt  }

// kernel: sparse-core-data-format-call.1.cloned.1.call-start
scs
called_computation.1_lowered:
.L_overlay_start_0:
0x0: {  	s2 =	sld [smem:$0x3FD9]  }
0x1: {  	s3 =	sld [smem:$0x3FFE];
	_ =	sdelay $0x1  }
0x2: {  	s1 =	srdreg.scid  }
0x3: {  	s0 =	sand.u32 $0x1, s1  }
0x4: {  	s18 =	sshll.u32 s0, $0xA;
	s2 =	sadd.s32 s3, s2  }
0x5: {  	s2 =	sadd.s32 s2, s18  }
0x6: {  	[smem:$0x3FC0] =	sst s2  }
0x7: {  	_ = 	snop  }
0x8: {  	(tm) =	ssettm $0x1  }
0x9: {  	s19 =	sld [smem:$0x3FFB];
	_ =	sdelay $0x3  }
0xa: {  	_ =	strace s19  }
0xb: {  	s2 =	sld [smem:$0x3FFC];
	_ =	sdelay $0x3  }
0xc: {  	_ =	strace s2  }
0xd: {  	s2 =	sld [smem:$0x3FFD];
	_ =	sdelay $0x3  }
0xe: {  	_ =	strace s2  }
0xf: {  	_ =	strace $0x8FFFFFFF  }
0x10: {  	s20 =	sld [smem:$0x3FDB];
	_ =	sdelay $0x1  }
0x11: {  	s21 =	simm.s32 $_scs_section_size  }
0x12: {  	s4 =	simm.s32 $_size__tile_overlayer_lowered;
	s5 =	simm.s32 $_tile_overlayer_lowered  }
0x13: {  	s6 =	simm.s32 $0x1BFF;
	s22 =	sshll.u32 s5, $0x1;
	s3 =	sadd.s32 s21, s20  }
0x14: {  	s23 =	simm.s32 $0x0;
	s4 =	sshll.u32 s4, $0x1;
	s5 =	sadd.s32 s22, s3  }
0x15: {  	[timem:s23], [sflag:s6] =	dma.local [hbm:s5], s4  }
0x16: {  	_ =	swait.ge [sflag:s6], s4  }
0x17: {  	s4 =	ssub.s32 $0x0, s4;
	[sflag:s6] =	ssyncset.done $0x0  }
0x18: {  	[sflag:s6] =	ssyncadd.s32 s4;
	_ =	sdelay $0x1  }
0x19: {  	s24 =	simm.s32 $0x1B8B  }
0x1a: {  	_ =	swait.ge [sflag:s24], $0x1  }
0x1b: {  	[sflag:s24] =	ssyncset.done $0x0  }
0x1c: {  	[sflag:s24] =	ssyncadd.s32 $0xFFFFFFFF  }
0x1d: {  	s4 =	sld [smem:$0x0]  }
0x1e: {  	s5 =	sand.u32 $0xFFFFFFFE, s1  }
0x1f: {  	p0 =	sne.s32 s1, s5  }
0x20: {  	s5 =	sshll.u32 @p0 s5, $0xE  }
0x21: {  	s5 =	sadd.s32 @p0 $0x11B8D, s5;
	s6 =	sshll.u32 @p0 s4, $0x11  }
0x22: {  	s5 =	sor.u32 @p0 s6, s5  }
0x23: {  	[sflag:s5] =	ssyncadd.remote.s32 @p0 $0x1;
	_ =	sdelay $0x1  }
0x24: {  	s5 =	simm.s32 @p0 $0x1B8D  }
0x25: {  	_ =	swait.eq @p0 [sflag:s5], $0x1  }
0x26: {  	[sflag:s5] =	ssyncadd.s32 @p0 $0xFFFFFFFF  }
0x27: {  	s6 =	sshll.u32 @!p0 s1, $0xE  }
0x28: {  	s6 =	sor.u32 @!p0 $0x4000, s6;
	s5 =	simm.s32 @!p0 $0x1B8D  }
0x29: {  	s4 =	sshll.u32 @!p0 s4, $0x11;
	s6 =	sadd.s32 @!p0 $0x11B8D, s6;
	_ =	swait.eq @!p0 [sflag:s5], $0x1  }
0x2a: {  	s4 =	sor.u32 @!p0 s4, s6;
	[sflag:s5] =	ssyncadd.s32 @!p0 $0xFFFFFFFF  }
0x2b: {  	s26 =	simm.s32 $0x1B8E;
	s25 =	sld [smem:$0x3FFE];
	[sflag:s4] =	ssyncadd.remote.s32 @!p0 $0x1  }
0x2c: {  	s27 =	simm.s32 $execute0_lowered;
	[smem:$0x3FD2] =	sst s26  }
0x2d: {  	s5 =	sshll.u32 s27, $0x1;
	_ =	strace $0x80000049;
	[dreg:$0x1] =	wrdreg $0xFFFFFFFF  }
0x2e: {  	s28 =	simm.s32 $_size_execute0_lowered;
	s3 =	sadd.s32 s3, s5;
	[dreg:$0x0] =	wrdreg $0x0  }
0x2f: {  	s5 =	sshll.u32 s28, $0x1;
	[dreg:$0x2] =	wrdreg s3  }
0x30: {  	[dreg:$0x3] =	wrdreg s5  }
0x31: {  	[dreg:$0x4] =	wrdreg $0xC0  }
0x32: {  	_ =	task [dreg:s23], $0x5FFFF  }
0x33: {  	[dreg:$0x1] =	wrdreg $0xFFFFFFFF  }
0x34: {  	[dreg:$0x0] =	wrdreg $0x60  }
0x35: {  	[dreg:$0x2] =	wrdreg s25  }
0x36: {  	[dreg:$0x3] =	wrdreg $0x9  }
0x37: {  	_ =	task.clear_ibuf [dreg:s23], $0x4FFFF;
	_ =	strace $0x90000049  }
0x38: {  	s29 =	simm.s32 $0x9;
	_ =	strace $0x8000004B  }
0x39: {  	_ =	swait.ge [sflag:s29], $0x1  }
0x3a: {  	[sflag:s29] =	ssyncadd.s32 $0xFFFFFFFF  }
0x3b: {  	_ =	strace $0x9000004B  }
0x3c: {  	_ =	sfence  }
0x3d: {  	s30 =	sld [smem:$0x0];
	_ =	sdelay $0x2  }
0x3e: {  	s31 =	sshll.u32 s1, $0xD;
	s1 =	sshrl.u32 s1, $0x2  }
0x3f: {  	s4 =	sand.u32 $0x4000, s31;
	s1 =	sadd.s32 s1, s30  }
0x40: {  	s0 =	sor.u32 s4, s0;
	s1 =	sshll.u32 s1, $0x11  }
0x41: {  	s0 =	sor.u32 s1, s0  }
0x42: {  	s0 =	sadd.s32 $0x8F2B, s0  }
0x43: {  	[sflag:s0] =	ssyncadd.remote.s32 $0x1  }
0x44: {  	_ =	sfence.sel $0xFFFF  }
0x45: {  	[dreg:$0x0] =	wrdreg $0xFFFFFFFF;
	(pc) =	sbr.abs _section_cstart, $3  }
0x46: {  	[dreg:$0x1] =	wrdreg $0xFFFFFFFF  }
0x47: {  	_ =	task.clear_ibuf [dreg:s23], $0x2FFFF;
	_ =	strace $0x9FFFFFFF  }
0x48: {  	(tm) =	ssettm $0x7FFFFFFF  }
0x49: {  	_ =	shalt  }
tec
execute0_lowered:
.L_overlay_start_1:
0x0: {  	(tag) =	ssettag $0x1  }
0x1: {  	s0 =	srdreg.scid  }
0x2: {  	s6 =	rddreg [dreg:$0x0];
	s1 =	sshll.u32 s0, $0x4  }
0x3: {  	s4 =	simm.s32 $0x1;
	s0 =	stileid.u32;
	s1 =	sand.u32 $0x10, s1  }
0x4: {  	s7 =	simm.s32 $0x2;
	s15 =	simm.s32 $0x0;
	s1 =	sor.u32 s0, s1  }
0x5: {  	s8 =	simm.s32 $0x2000;
	s9 =	simm.s32 $0x0;
	s2 =	sshll.u32 s1, $0x1  }
0x6: {  	s16 =	simm.s32 $0x0;
	s17 =	simm.s32 $0x0;
	s3 =	ssub.s32 $0x40, s2  }
0x7: {  	s18 =	simm.s32 $0x0;
	s10 =	simm.s32 $0x0;
	s31 =	sand.u32 $0x3E, s3  }
0x8: {  	s11 =	simm.s32 $0x0;
	s13 =	simm.s32 $0x0;
	p0 =	sne.s32 s31, $0x0  }
.Ltmp0:
0x9: {  	s3 =	sshrl.u32 s3, $0x6;
	s4 =	simm.s32 @!p0 $0x0;
	(pc) =	sbr.rel .LBB1_1-.Ltmp0, $4  }
0xa: {  	s14 =	simm.s32 $0x0;
	s1 =	rddreg [dreg:$0x1];
	s5 =	sadd.s32 s4, s3  }
0xb: {  	_ =	strace $0x8000004A;
	s4 =	simm.s32 $0x1;
	s5 =	smul.u32 $0x24, s5  }
0xc: {  	s12 =	smov.u32 s2;
	s3 =	sadd.s32 $0xDA000, s6;
	[sflag:s4] =	ssyncpa.u1 $0x0  }
0xd: {  	s6 =	sadd.s32 $0x31A000, s6;
	[sflag:s7] =	ssyncpa.u1 $0x0;
	s7 =	sor.u32 $0x1, s5  }
.LBB1_7:
0xe: {  	s19 =	sadd.s32 $0x80, s10  }
0xf: {  	s15 =	sadd.s32 $0x40, s11;
	s20 =	smov.u32 s11;
	p1 =	sgt.s32 s19, $0x1FF  }
0x10: {  	s20 =	smov.u32 @p1 s15  }
0x11: {  	s21 =	smov.u32 s12;
	s15 =	sadd.s32 $0x40, s12;
	p2 =	sgt.s32 s20, $0x3F  }
0x12: {  	s21 =	smov.u32 @p2 s15  }
0x13: {  	s15 =	simm.s32 $0x1;
	p3 =	sgt.s32 s21, $0x3F  }
0x14: {  	s15 =	simm.s32 @!p3 $0x0  }
0x15: {  	p0 =	slt.u32 s14, $0x2;
	s23 =	sadd.s32 s15, s13  }
0x16: {  	s16 =	smov.u32 s11;
	s19 =	simm.s32 @p1 $0x0;
	p1 =	sgt.s32 s23, $0x8  }
0x17: {  	s22 =	simm.s32 @!p0 $0x2;
	s23 =	simm.s32 @p1 $0x0;
	p1 =	sne.s32 s14, s7  }
.Ltmp1:
0x18: {  	s17 =	smov.u32 s12;
	_ =	swait.ge @!p0 [sflag:s22], $0x4000;
	(pc) =	sbr.rel @!p1 .LBB1_8-.Ltmp1, $4  }
0x19: {  	s18 =	smov.u32 s13;
	[sflag:s22] =	ssyncset.done @!p0 $0x0;
	s20 =	simm.s32 @p2 $0x0  }
0x1a: {  	s9 =	sadd.s32 $0x4000, s9;
	[sflag:s22] =	ssyncadd.s32 @!p0 $0xFFFFC000;
	s11 =	smov.u32 s20  }
0x1b: {  	s21 =	smov.u32 @p3 s2;
	s15 =	smov.u32 s10;
	s10 =	smov.u32 s19  }
0x1c: {  	s12 =	smov.u32 s21;
	s14 =	sadd.s32 $0x1, s14;
	s13 =	smov.u32 s23  }
.LBB1_1:
0x1d: {  	p0 =	sge.u32 s14, s5;
	s31 =	sadd.s32 $0xFFFFFFFF, s14  }
0x1e: {  	s19 =	sxor.u32 @!p0 $0xFFFFFFFF, s14;
	s20 =	sand.u32 @!p0 $0x78, s10;
	s21 =	sshll.u32 @!p0 s11, $0x9  }
0x1f: {  	s22 =	sshll.u32 @!p0 s10, $0x3;
	s23 =	sshll.u32 @!p0 s11, $0x7;
	s19 =	sshll.u32 @!p0 s19, $0xE  }
0x20: {  	s21 =	sand.u32 @!p0 $0x7000, s21;
	s22 =	sand.u32 @!p0 $0x7C00, s22;
	s19 =	sand.u32 @!p0 $0x4000, s19  }
0x21: {  	s21 =	sadd.s32 @!p0 s21, s22;
	s22 =	sand.u32 @!p0 $0x200, s23;
	s23 =	sand.u32 @!p0 $0x180, s23  }
0x22: {  	s21 =	sor.u32 @!p0 s22, s21;
	s20 =	sor.u32 @!p0 s20, s23;
	s22 =	sshll.u32 @!p0 s13, $0x12  }
0x23: {  	s23 =	sshll.u32 @!p0 s12, $0xC;
	s21 =	sshrl.u32 @!p0 s21, $0x3;
	s22 =	sadd.s32 @!p0 s3, s22  }
0x24: {  	s20 =	sshrl.u32 @!p0 s20, $0x3;
	s22 =	sadd.s32 @!p0 s23, s22;
	s23 =	sand.u32 @!p0 $0x7, s10  }
0x25: {  	s21 =	sand.u32 @!p0 $0xFC0, s21;
	s20 =	sadd.s32 @!p0 s20, s22;
	s22 =	sshll.u32 @!p0 s23, $0x12  }
0x26: {  	s20 =	sadd.s32 @!p0 s21, s20;
	s21 =	sor.u32 @!p0 $0x400, s22;
	s22 =	simm.s32 @!p0 $0x1000  }
0x27: {  	[tilespmem:s19], [sflag:$0x1] =	stream.strided.gather @!p0 [hbm4b:s20+s21], $0x4000, s22, s21, $0x38;
	[tilespmem:$0x10000] =	vst v63  }
0x28: {  	p0 =	sge.u32 s31, s5  }
.Ltmp2:
0x29: {  	_ = 	snop;
	(pc) =	sbr.rel @p0 .LBB1_7-.Ltmp2, $1  }
0x2a: {  	_ =	sdelay $0x3  }
0x2b: {  	s19 =	sshll.u32 s9, $0x2  }
0x2c: {  	_ =	swait.ge [sflag:s4], $0x4000;
	s20 =	sshll.u32 s14, $0xE;
	s22 =	simm.s32 $0x0  }
0x2d: {  	p1 =	por $0x1, $0x1;
	s19 =	sand.u32 $0x10000, s19;
	[sflag:s4] =	ssyncset.done $0x0  }
0x2e: {  	s20 =	sand.u32 $0x4000, s20;
	s21 =	sshrl.u32 s19, $0x2;
	[sflag:s4] =	ssyncadd.s32 $0xFFFFC000  }
0x2f: {  	s19 =	sor.u32 $0x8000, s20;
	s20 =	sadd.s32 $0x70, s21;
	s21 =	sadd.s32 $0x8040, s21  }
.LBB1_3:
0x30: {  	s22 =	sshll.u32 s22, $0x2  }
0x31: {  	s23 =	sshra.s32 s22, $0x2  }
0x32: {  	s22 =	sadd.s32 s23, s20  }
0x33: {  	v1 =	vmov s22;
	_ =	sdelay $0x3  }
0x34: {  	s22 =	simm.s32 $0x0  }
0x35: {  	s23 =	sadd.s32 s23, s21;
	v7 =	vld.idx.msk [tilespmem:v1+s22+$0x0 ss:$0x1], $0xffff  }
0x36: {  	v0 =	vmov s23;
	v8 =	vld.idx.msk [tilespmem:v1+s22+$0xFFFFFF90 ss:$0x1], $0xffff  }
0x37: {  	v6 =	vld.idx.msk [tilespmem:v1+s22+$0xFFFFFFA0 ss:$0x1], $0xffff  }
0x38: {  	v5 =	vld.idx.msk [tilespmem:v1+s22+$0xFFFFFFB0 ss:$0x1], $0xffff  }
0x39: {  	v4 =	vld.idx.msk [tilespmem:v1+s22+$0xFFFFFFC0 ss:$0x1], $0xffff  }
0x3a: {  	v2 =	vld.idx.msk [tilespmem:v1+s22+$0xFFFFFFD0 ss:$0x1], $0xffff  }
0x3b: {  	v3 =	vld.idx.msk [tilespmem:v1+s22+$0xFFFFFFE0 ss:$0x1], $0xffff;
	[tilespmem:v0+s22+$0x30 ss:$0x1] =	vst.idx.msk $0xffff, v7  }
0x3c: {  	p0 =	por p1, p1;
	s24 =	simm.s32 $0x400;
	s23 =	simm.s32 $0x80;
	[tilespmem:v0+s22+$0xFFFFFFC0 ss:$0x1] =	vst.idx.msk $0xffff, v8;
	v7 =	vld.idx.msk [tilespmem:v1+s22+$0xFFFFFFF0 ss:$0x1], $0xffff  }
.LBB1_4:
0x3d: {  	p1 =	sne.s32 s24, $0x7E00;
	v8 =	vld.idx.msk [tilespmem:v1+s23+$0x0 ss:$0x1], $0xffff;
	[tilespmem:v0+s22+$0xFFFFFFD0 ss:$0x1] =	vst.idx.msk $0xffff, v6  }
0x3e: {  	v9 =	vld.idx.msk [tilespmem:v1+s23+$0xFFFFFF90 ss:$0x1], $0xffff;
	[tilespmem:v0+s22+$0xFFFFFFE0 ss:$0x1] =	vst.idx.msk $0xffff, v5  }
0x3f: {  	v6 =	vld.idx.msk [tilespmem:v1+s23+$0xFFFFFFA0 ss:$0x1], $0xffff;
	[tilespmem:v0+s22+$0xFFFFFFF0 ss:$0x1] =	vst.idx.msk $0xffff, v4  }
.Ltmp3:
0x40: {  	v5 =	vld.idx.msk [tilespmem:v1+s23+$0xFFFFFFB0 ss:$0x1], $0xffff;
	[tilespmem:v0+s22+$0x0 ss:$0x1] =	vst.idx.msk $0xffff, v2;
	(pc) =	sbr.rel @p1 .LBB1_4-.Ltmp3, $4  }
0x41: {  	v4 =	vld.idx.msk [tilespmem:v1+s23+$0xFFFFFFC0 ss:$0x1], $0xffff;
	[tilespmem:v0+s22+$0x10 ss:$0x1] =	vst.idx.msk $0xffff, v3  }
0x42: {  	v2 =	vld.idx.msk [tilespmem:v1+s23+$0xFFFFFFD0 ss:$0x1], $0xffff;
	[tilespmem:v0+s22+$0x20 ss:$0x1] =	vst.idx.msk $0xffff, v7;
	s22 =	smov.u32 s23  }
0x43: {  	v3 =	vld.idx.msk [tilespmem:v1+s22+$0xFFFFFFE0 ss:$0x1], $0xffff;
	[tilespmem:v0+s22+$0x30 ss:$0x1] =	vst.idx.msk $0xffff, v8  }
0x44: {  	s23 =	sshra.s32 s24, $0x2;
	s24 =	sadd.s32 $0x200, s24;
	[tilespmem:v0+s22+$0xFFFFFFC0 ss:$0x1] =	vst.idx.msk $0xffff, v9;
	v7 =	vld.idx.msk [tilespmem:v1+s22+$0xFFFFFFF0 ss:$0x1], $0xffff  }
0x45: {  	_ =	sdelay $0x3  }
0x46: {  	[tilespmem:v0+s22+$0xFFFFFFD0 ss:$0x1] =	vst.idx.msk $0xffff, v6  }
0x47: {  	v56 =	vld.idx.msk [tilespmem:v1+s23+$0x0 ss:$0x1], $0xffff;
	[tilespmem:v0+s22+$0xFFFFFFE0 ss:$0x1] =	vst.idx.msk $0xffff, v5  }
0x48: {  	v57 =	vld.idx.msk [tilespmem:v1+s23+$0xFFFFFF90 ss:$0x1], $0xffff;
	[tilespmem:v0+s22+$0xFFFFFFF0 ss:$0x1] =	vst.idx.msk $0xffff, v4  }
0x49: {  	v58 =	vld.idx.msk [tilespmem:v1+s23+$0xFFFFFFA0 ss:$0x1], $0xffff;
	[tilespmem:v0+s22+$0x0 ss:$0x1] =	vst.idx.msk $0xffff, v2  }
0x4a: {  	v59 =	vld.idx.msk [tilespmem:v1+s23+$0xFFFFFFB0 ss:$0x1], $0xffff;
	[tilespmem:v0+s22+$0x10 ss:$0x1] =	vst.idx.msk $0xffff, v3  }
0x4b: {  	v60 =	vld.idx.msk [tilespmem:v1+s23+$0xFFFFFFC0 ss:$0x1], $0xffff;
	[tilespmem:v0+s22+$0x20 ss:$0x1] =	vst.idx.msk $0xffff, v7  }
0x4c: {  	v61 =	vld.idx.msk [tilespmem:v1+s23+$0xFFFFFFD0 ss:$0x1], $0xffff;
	[tilespmem:v0+s23+$0x30 ss:$0x1] =	vst.idx.msk $0xffff, v56  }
0x4d: {  	v62 =	vld.idx.msk [tilespmem:v1+s23+$0xFFFFFFE0 ss:$0x1], $0xffff;
	[tilespmem:v0+s23+$0xFFFFFFC0 ss:$0x1] =	vst.idx.msk $0xffff, v57  }
0x4e: {  	v63 =	vld.idx.msk [tilespmem:v1+s23+$0xFFFFFFF0 ss:$0x1], $0xffff;
	[tilespmem:v0+s23+$0xFFFFFFD0 ss:$0x1] =	vst.idx.msk $0xffff, v58  }
.Ltmp4:
0x4f: {  	[tilespmem:v0+s23+$0xFFFFFFE0 ss:$0x1] =	vst.idx.msk $0xffff, v59;
	(pc) =	sbr.rel @p0 .LBB1_3-.Ltmp4, $4  }
0x50: {  	[tilespmem:v0+s23+$0xFFFFFFF0 ss:$0x1] =	vst.idx.msk $0xffff, v60  }
0x51: {  	[tilespmem:v0+s23+$0x0 ss:$0x1] =	vst.idx.msk $0xffff, v61  }
0x52: {  	[tilespmem:v0+s23+$0x10 ss:$0x1] =	vst.idx.msk $0xffff, v62  }
0x53: {  	p1 =	por $0x0, $0x0;
	s22 =	simm.s32 $0x2000;
	[tilespmem:v0+s23+$0x20 ss:$0x1] =	vst.idx.msk $0xffff, v63  }
0x54: {  	s20 =	sand.u32 $0x78, s15  }
0x55: {  	s21 =	sshll.u32 s18, $0x9;
	s22 =	sshll.u32 s15, $0x3;
	s27 =	sshll.u32 s18, $0x7  }
0x56: {  	s17 =	sshll.u32 s17, $0x10;
	s16 =	sshll.u32 s16, $0xA;
	s30 =	sand.u32 $0x7, s15  }
0x57: {  	s21 =	sand.u32 $0x1000, s21;
	s22 =	sand.u32 $0x1C00, s22;
	s28 =	sand.u32 $0x200, s27  }
0x58: {  	s18 =	sand.u32 $0x180, s27;
	s17 =	sadd.s32 s6, s17;
	s21 =	sadd.s32 s21, s22  }
.Ltmp5:
0x59: {  	s18 =	sor.u32 s18, s20;
	s21 =	sor.u32 s28, s21;
	(pc) =	sbr.rel .LBB1_7-.Ltmp5, $4  }
0x5a: {  	s16 =	sadd.s32 s16, s17;
	s18 =	sshrl.u32 s18, $0x3;
	s29 =	sshrl.u32 s21, $0x3  }
0x5b: {  	s15 =	sshll.u32 s30, $0x12;
	s16 =	sadd.s32 s18, s16;
	s31 =	sand.u32 $0x3C0, s29  }
0x5c: {  	s15 =	sor.u32 $0x80, s15;
	s16 =	sadd.s32 s31, s16  }
0x5d: {  	[hbm4b:s16+s15] =	stream.strided.scatter [tilespmem:s19], [sflag:$0x2], $0x4000, s8, s15, $0x38;
	[tilespmem:$0x10000] =	vst v63  }
.LBB1_8:
0x5e: {  	_ =	sfence.sel $0x180000  }
0x5f: {  	s2 =	simm.s32 $0x1;
	[bflag:$0x0] =	sbarrier.arrive $0xFFFF  }
0x60: {  	s31 =	simm.s32 $0x2;
	[sflag:s2] =	ssyncpa.u1 $0x1  }
0x61: {  	[sflag:s31] =	ssyncpa.u1 $0x1  }
0x62: {  	p0 =	sne.s32 s0, $0x0;
	_ =	strace $0x9000004A  }
0x63: {  	s0 =	sadd.s32 @!p0 $0x100000, s1;
	[bflag:$0x2] =	sbarrier.arrive $0xFFFF  }
0x64: {  	[sflag:s0] =	ssyncadd.tile.s32 @!p0 $0x1;
	_ =	shalt  }
.Lfunc_end1:
_tile_overlayer_lowered:
.L_overlay_start_2:
0x65: {  	(tag) =	ssettag $0x2  }
0x66: {  	s0 =	rddreg [dreg:$0x0];
	s2 =	stileid.u32  }
0x67: {  	s1 =	rddreg [dreg:$0x1];
	p0 =	sne.s32 s2, $0x0  }
0x68: {  	s3 =	rddreg [dreg:$0x2];
	[bflag:$0x3] =	sbarrier.arrive $0xFFFF;
	s2 =	simm.s32 @!p0 $0x1C01  }
0x69: {  	[timem:s3], [sflag:s2] =	dma.local @!p0 [hbm:s0], s1  }
0x6a: {  	s0 =	simm.s32 @!p0 $0x1  }
0x6b: {  	_ =	swait.ge @!p0 [sflag:s0], s1  }
0x6c: {  	s1 =	ssub.s32 @!p0 $0x0, s1;
	[sflag:s0] =	ssyncset.done @!p0 $0x0  }
0x6d: {  	[sflag:s0] =	ssyncadd.s32 @!p0 s1  }
0x6e: {  	[bflag:$0x3] =	sbarrier.arrive $0xFFFF  }
0x6f: {  	_ =	shalt  }

// kernel: sparse-core-data-format-call.cloned.1.call-start
scs
called_computation_lowered:
.L_overlay_start_0:
0x0: {  	s2 =	sld [smem:$0x3FD9]  }
0x1: {  	s3 =	sld [smem:$0x3FFE];
	_ =	sdelay $0x1  }
0x2: {  	s1 =	srdreg.scid  }
0x3: {  	s0 =	sand.u32 $0x1, s1  }
0x4: {  	s18 =	sshll.u32 s0, $0xA;
	s2 =	sadd.s32 s3, s2  }
0x5: {  	s2 =	sadd.s32 s2, s18  }
0x6: {  	[smem:$0x3FC0] =	sst s2  }
0x7: {  	_ = 	snop  }
0x8: {  	(tm) =	ssettm $0x1  }
0x9: {  	s19 =	sld [smem:$0x3FFB];
	_ =	sdelay $0x3  }
0xa: {  	_ =	strace s19  }
0xb: {  	s2 =	sld [smem:$0x3FFC];
	_ =	sdelay $0x3  }
0xc: {  	_ =	strace s2  }
0xd: {  	s2 =	sld [smem:$0x3FFD];
	_ =	sdelay $0x3  }
0xe: {  	_ =	strace s2  }
0xf: {  	_ =	strace $0x8FFFFFFF  }
0x10: {  	s20 =	sld [smem:$0x3FDB];
	_ =	sdelay $0x1  }
0x11: {  	s21 =	simm.s32 $_scs_section_size  }
0x12: {  	s4 =	simm.s32 $_size__tile_overlayer_lowered;
	s5 =	simm.s32 $_tile_overlayer_lowered  }
0x13: {  	s6 =	simm.s32 $0x1BFF;
	s22 =	sshll.u32 s5, $0x1;
	s3 =	sadd.s32 s21, s20  }
0x14: {  	s23 =	simm.s32 $0x0;
	s4 =	sshll.u32 s4, $0x1;
	s5 =	sadd.s32 s22, s3  }
0x15: {  	[timem:s23], [sflag:s6] =	dma.local [hbm:s5], s4  }
0x16: {  	_ =	swait.ge [sflag:s6], s4  }
0x17: {  	s4 =	ssub.s32 $0x0, s4;
	[sflag:s6] =	ssyncset.done $0x0  }
0x18: {  	[sflag:s6] =	ssyncadd.s32 s4;
	_ =	sdelay $0x1  }
0x19: {  	s24 =	simm.s32 $0x1B8B  }
0x1a: {  	_ =	swait.ge [sflag:s24], $0x1  }
0x1b: {  	[sflag:s24] =	ssyncset.done $0x0  }
0x1c: {  	[sflag:s24] =	ssyncadd.s32 $0xFFFFFFFF  }
0x1d: {  	s4 =	sld [smem:$0x0]  }
0x1e: {  	s5 =	sand.u32 $0xFFFFFFFE, s1  }
0x1f: {  	p0 =	sne.s32 s1, s5  }
0x20: {  	s5 =	sshll.u32 @p0 s5, $0xE  }
0x21: {  	s5 =	sadd.s32 @p0 $0x11B8D, s5;
	s6 =	sshll.u32 @p0 s4, $0x11  }
0x22: {  	s5 =	sor.u32 @p0 s6, s5  }
0x23: {  	[sflag:s5] =	ssyncadd.remote.s32 @p0 $0x1;
	_ =	sdelay $0x1  }
0x24: {  	s5 =	simm.s32 @p0 $0x1B8D  }
0x25: {  	_ =	swait.eq @p0 [sflag:s5], $0x1  }
0x26: {  	[sflag:s5] =	ssyncadd.s32 @p0 $0xFFFFFFFF  }
0x27: {  	s6 =	sshll.u32 @!p0 s1, $0xE  }
0x28: {  	s6 =	sor.u32 @!p0 $0x4000, s6;
	s5 =	simm.s32 @!p0 $0x1B8D  }
0x29: {  	s4 =	sshll.u32 @!p0 s4, $0x11;
	s6 =	sadd.s32 @!p0 $0x11B8D, s6;
	_ =	swait.eq @!p0 [sflag:s5], $0x1  }
0x2a: {  	s4 =	sor.u32 @!p0 s4, s6;
	[sflag:s5] =	ssyncadd.s32 @!p0 $0xFFFFFFFF  }
0x2b: {  	s26 =	simm.s32 $0x1B8E;
	s25 =	sld [smem:$0x3FFE];
	[sflag:s4] =	ssyncadd.remote.s32 @!p0 $0x1  }
0x2c: {  	s27 =	simm.s32 $execute0_lowered;
	[smem:$0x3FD2] =	sst s26  }
0x2d: {  	s5 =	sshll.u32 s27, $0x1;
	_ =	strace $0x8000004F;
	[dreg:$0x1] =	wrdreg $0xFFFFFFFF  }
0x2e: {  	s28 =	simm.s32 $_size_execute0_lowered;
	s3 =	sadd.s32 s3, s5;
	[dreg:$0x0] =	wrdreg $0x0  }
0x2f: {  	s5 =	sshll.u32 s28, $0x1;
	[dreg:$0x2] =	wrdreg s3  }
0x30: {  	[dreg:$0x3] =	wrdreg s5  }
0x31: {  	[dreg:$0x4] =	wrdreg $0xC0  }
0x32: {  	_ =	task [dreg:s23], $0x5FFFF  }
0x33: {  	[dreg:$0x1] =	wrdreg $0xFFFFFFFF  }
0x34: {  	[dreg:$0x0] =	wrdreg $0x60  }
0x35: {  	[dreg:$0x2] =	wrdreg s25  }
0x36: {  	[dreg:$0x3] =	wrdreg $0x9  }
0x37: {  	_ =	task.clear_ibuf [dreg:s23], $0x4FFFF;
	_ =	strace $0x9000004F  }
0x38: {  	s29 =	simm.s32 $0x9;
	_ =	strace $0x80000051  }
0x39: {  	_ =	swait.ge [sflag:s29], $0x1  }
0x3a: {  	[sflag:s29] =	ssyncadd.s32 $0xFFFFFFFF  }
0x3b: {  	_ =	strace $0x90000051  }
0x3c: {  	_ =	sfence  }
0x3d: {  	s30 =	sld [smem:$0x0];
	_ =	sdelay $0x2  }
0x3e: {  	s31 =	sshll.u32 s1, $0xD;
	s1 =	sshrl.u32 s1, $0x2  }
0x3f: {  	s4 =	sand.u32 $0x4000, s31;
	s1 =	sadd.s32 s1, s30  }
0x40: {  	s0 =	sor.u32 s4, s0;
	s1 =	sshll.u32 s1, $0x11  }
0x41: {  	s0 =	sor.u32 s1, s0  }
0x42: {  	s0 =	sadd.s32 $0x8F2B, s0  }
0x43: {  	[sflag:s0] =	ssyncadd.remote.s32 $0x1  }
0x44: {  	_ =	sfence.sel $0xFFFF  }
0x45: {  	[dreg:$0x0] =	wrdreg $0xFFFFFFFF;
	(pc) =	sbr.abs _section_cstart, $3  }
0x46: {  	[dreg:$0x1] =	wrdreg $0xFFFFFFFF  }
0x47: {  	_ =	task.clear_ibuf [dreg:s23], $0x2FFFF;
	_ =	strace $0x9FFFFFFF  }
0x48: {  	(tm) =	ssettm $0x7FFFFFFF  }
0x49: {  	_ =	shalt  }
tec
execute0_lowered:
.L_overlay_start_1:
0x0: {  	(tag) =	ssettag $0x1  }
0x1: {  	s0 =	srdreg.scid  }
0x2: {  	s6 =	rddreg [dreg:$0x0];
	s1 =	sshll.u32 s0, $0x4  }
0x3: {  	s4 =	simm.s32 $0x1;
	s0 =	stileid.u32;
	s1 =	sand.u32 $0x10, s1  }
0x4: {  	s7 =	simm.s32 $0x2;
	s15 =	simm.s32 $0x0;
	s1 =	sor.u32 s0, s1  }
0x5: {  	s8 =	simm.s32 $0x9000;
	s9 =	simm.s32 $0x0;
	s2 =	sshll.u32 s1, $0x4  }
0x6: {  	s16 =	simm.s32 $0x0;
	s17 =	simm.s32 $0x0;
	s3 =	ssub.s32 $0x200, s2  }
0x7: {  	s18 =	simm.s32 $0x0;
	s10 =	simm.s32 $0x0;
	s31 =	sand.u32 $0x1F0, s3  }
0x8: {  	s11 =	simm.s32 $0x0;
	s12 =	simm.s32 $0x0;
	p0 =	sne.s32 s31, $0x0  }
.Ltmp0:
0x9: {  	s3 =	sshrl.u32 s3, $0x9;
	s4 =	simm.s32 @!p0 $0x0;
	(pc) =	sbr.rel .LBB1_1-.Ltmp0, $4  }
0xa: {  	s14 =	simm.s32 $0x0;
	s1 =	rddreg [dreg:$0x1];
	s5 =	sadd.s32 s4, s3  }
0xb: {  	_ =	strace $0x80000050;
	s4 =	simm.s32 $0x1;
	s5 =	smul.u32 $0x24, s5  }
0xc: {  	s13 =	smov.u32 s2;
	s3 =	sadd.s32 $0x31A000, s6;
	[sflag:s4] =	ssyncpa.u1 $0x0  }
0xd: {  	s6 =	sadd.s32 $0x39200, s6;
	[sflag:s7] =	ssyncpa.u1 $0x0;
	s7 =	sor.u32 $0x1, s5  }
.LBB1_7:
0xe: {  	s19 =	sadd.s32 $0x80, s10  }
0xf: {  	s15 =	simm.s32 $0x1;
	p1 =	sgt.s32 s19, $0x1FF  }
0x10: {  	s15 =	simm.s32 @!p1 $0x0  }
0x11: {  	s20 =	sadd.s32 s15, s11  }
0x12: {  	s21 =	smov.u32 s12;
	s15 =	sadd.s32 $0x8, s12;
	p2 =	sgt.s32 s20, $0x8  }
0x13: {  	s21 =	smov.u32 @p2 s15  }
0x14: {  	s22 =	smov.u32 s13;
	s15 =	sadd.s32 $0x200, s13;
	p3 =	sgt.s32 s21, $0x7  }
0x15: {  	p0 =	slt.u32 s14, $0x2;
	s22 =	smov.u32 @p3 s15  }
0x16: {  	s16 =	smov.u32 s11;
	s19 =	simm.s32 @p1 $0x0;
	p1 =	sgt.s32 s22, $0x1FF  }
0x17: {  	s23 =	simm.s32 @!p0 $0x2;
	s22 =	smov.u32 @p1 s2;
	p1 =	sne.s32 s14, s7  }
.Ltmp1:
0x18: {  	s17 =	smov.u32 s12;
	_ =	swait.ge @!p0 [sflag:s23], $0x4000;
	(pc) =	sbr.rel @!p1 .LBB1_8-.Ltmp1, $4  }
0x19: {  	s18 =	smov.u32 s13;
	[sflag:s23] =	ssyncset.done @!p0 $0x0;
	s20 =	simm.s32 @p2 $0x0  }
0x1a: {  	s9 =	sadd.s32 $0x4000, s9;
	[sflag:s23] =	ssyncadd.s32 @!p0 $0xFFFFC000;
	s11 =	smov.u32 s20  }
0x1b: {  	s21 =	simm.s32 @p3 $0x0;
	s15 =	smov.u32 s10;
	s10 =	smov.u32 s19  }
0x1c: {  	s12 =	smov.u32 s21;
	s14 =	sadd.s32 $0x1, s14;
	s13 =	smov.u32 s22  }
.LBB1_1:
0x1d: {  	p0 =	sge.u32 s14, s5;
	s31 =	sadd.s32 $0xFFFFFFFF, s14  }
0x1e: {  	s19 =	sxor.u32 @!p0 $0xFFFFFFFF, s14;
	s20 =	sand.u32 @!p0 $0x78, s10;
	s21 =	sshll.u32 @!p0 s11, $0x9  }
0x1f: {  	s22 =	sshll.u32 @!p0 s10, $0x3;
	s23 =	sshll.u32 @!p0 s11, $0x7;
	s19 =	sshll.u32 @!p0 s19, $0xE  }
0x20: {  	s21 =	sand.u32 @!p0 $0x1000, s21;
	s22 =	sand.u32 @!p0 $0x1C00, s22;
	s19 =	sand.u32 @!p0 $0x4000, s19  }
0x21: {  	s21 =	sadd.s32 @!p0 s21, s22;
	s22 =	sand.u32 @!p0 $0x200, s23;
	s23 =	sand.u32 @!p0 $0x180, s23  }
0x22: {  	s21 =	sor.u32 @!p0 s22, s21;
	s20 =	sor.u32 @!p0 s20, s23;
	s22 =	sshll.u32 @!p0 s13, $0xD  }
0x23: {  	s23 =	sshll.u32 @!p0 s12, $0xA;
	s21 =	sshrl.u32 @!p0 s21, $0x3;
	s22 =	sadd.s32 @!p0 s3, s22  }
0x24: {  	s20 =	sshrl.u32 @!p0 s20, $0x3;
	s22 =	sadd.s32 @!p0 s23, s22;
	s23 =	sand.u32 @!p0 $0x7, s10  }
0x25: {  	s21 =	sand.u32 @!p0 $0x3C0, s21;
	s20 =	sadd.s32 @!p0 s20, s22;
	s22 =	sshll.u32 @!p0 s23, $0x12  }
0x26: {  	s20 =	sadd.s32 @!p0 s21, s20;
	s21 =	sor.u32 @!p0 $0x80, s22;
	s22 =	simm.s32 @!p0 $0x2000  }
0x27: {  	[tilespmem:s19], [sflag:$0x1] =	stream.strided.gather @!p0 [hbm4b:s20+s21], $0x4000, s22, s21, $0x38;
	[tilespmem:$0x10000] =	vst v63  }
0x28: {  	p0 =	sge.u32 s31, s5  }
.Ltmp2:
0x29: {  	_ = 	snop;
	(pc) =	sbr.rel @p0 .LBB1_7-.Ltmp2, $1  }
0x2a: {  	_ =	sdelay $0x3  }
0x2b: {  	s19 =	sand.u32 $0x4000, s9  }
0x2c: {  	_ =	swait.ge [sflag:s4], $0x4000;
	s22 =	sshll.u32 s14, $0xE;
	s20 =	sor.u32 $0x70, s19  }
0x2d: {  	s21 =	sor.u32 $0x8040, s19;
	[sflag:s4] =	ssyncset.done $0x0;
	s31 =	sand.u32 $0x4000, s22  }
0x2e: {  	s22 =	simm.s32 $0x0;
	[sflag:s4] =	ssyncadd.s32 $0xFFFFC000;
	s19 =	sor.u32 $0x8000, s31  }
.LBB1_3:
0x2f: {  	v1 =	vmov s20;
	_ =	sdelay $0x3  }
0x30: {  	s23 =	simm.s32 $0x0  }
0x31: {  	v7 =	vld.idx.msk [tilespmem:v1+s23+$0x0 ss:$0x1], $0xffff  }
0x32: {  	v0 =	vmov s21;
	v8 =	vld.idx.msk [tilespmem:v1+s23+$0xFFFFFF90 ss:$0x1], $0xffff  }
0x33: {  	v6 =	vld.idx.msk [tilespmem:v1+s23+$0xFFFFFFA0 ss:$0x1], $0xffff  }
0x34: {  	v5 =	vld.idx.msk [tilespmem:v1+s23+$0xFFFFFFB0 ss:$0x1], $0xffff  }
0x35: {  	v4 =	vld.idx.msk [tilespmem:v1+s23+$0xFFFFFFC0 ss:$0x1], $0xffff  }
0x36: {  	v2 =	vld.idx.msk [tilespmem:v1+s23+$0xFFFFFFD0 ss:$0x1], $0xffff  }
0x37: {  	v3 =	vld.idx.msk [tilespmem:v1+s23+$0xFFFFFFE0 ss:$0x1], $0xffff;
	[tilespmem:v0+s23+$0x30 ss:$0x1] =	vst.idx.msk $0xffff, v7  }
0x38: {  	s24 =	simm.s32 $0x80;
	s25 =	simm.s32 $0x400;
	[tilespmem:v0+s23+$0xFFFFFFC0 ss:$0x1] =	vst.idx.msk $0xffff, v8;
	v7 =	vld.idx.msk [tilespmem:v1+s23+$0xFFFFFFF0 ss:$0x1], $0xffff  }
.LBB1_4:
0x39: {  	p0 =	sne.s32 s25, $0xE00;
	v8 =	vld.idx.msk [tilespmem:v1+s24+$0x0 ss:$0x1], $0xffff;
	[tilespmem:v0+s23+$0xFFFFFFD0 ss:$0x1] =	vst.idx.msk $0xffff, v6  }
0x3a: {  	v9 =	vld.idx.msk [tilespmem:v1+s24+$0xFFFFFF90 ss:$0x1], $0xffff;
	[tilespmem:v0+s23+$0xFFFFFFE0 ss:$0x1] =	vst.idx.msk $0xffff, v5  }
0x3b: {  	v6 =	vld.idx.msk [tilespmem:v1+s24+$0xFFFFFFA0 ss:$0x1], $0xffff;
	[tilespmem:v0+s23+$0xFFFFFFF0 ss:$0x1] =	vst.idx.msk $0xffff, v4  }
.Ltmp3:
0x3c: {  	v5 =	vld.idx.msk [tilespmem:v1+s24+$0xFFFFFFB0 ss:$0x1], $0xffff;
	[tilespmem:v0+s23+$0x0 ss:$0x1] =	vst.idx.msk $0xffff, v2;
	(pc) =	sbr.rel @p0 .LBB1_4-.Ltmp3, $4  }
0x3d: {  	v4 =	vld.idx.msk [tilespmem:v1+s24+$0xFFFFFFC0 ss:$0x1], $0xffff;
	[tilespmem:v0+s23+$0x10 ss:$0x1] =	vst.idx.msk $0xffff, v3  }
0x3e: {  	v2 =	vld.idx.msk [tilespmem:v1+s24+$0xFFFFFFD0 ss:$0x1], $0xffff;
	[tilespmem:v0+s23+$0x20 ss:$0x1] =	vst.idx.msk $0xffff, v7;
	s23 =	smov.u32 s24  }
0x3f: {  	v3 =	vld.idx.msk [tilespmem:v1+s23+$0xFFFFFFE0 ss:$0x1], $0xffff;
	[tilespmem:v0+s23+$0x30 ss:$0x1] =	vst.idx.msk $0xffff, v8  }
0x40: {  	s24 =	sshra.s32 s25, $0x2;
	s25 =	sadd.s32 $0x200, s25;
	[tilespmem:v0+s23+$0xFFFFFFC0 ss:$0x1] =	vst.idx.msk $0xffff, v9;
	v7 =	vld.idx.msk [tilespmem:v1+s23+$0xFFFFFFF0 ss:$0x1], $0xffff  }
0x41: {  	_ =	sdelay $0x3  }
0x42: {  	[tilespmem:v0+s23+$0xFFFFFFD0 ss:$0x1] =	vst.idx.msk $0xffff, v6  }
0x43: {  	v56 =	vld.idx.msk [tilespmem:v1+s24+$0x0 ss:$0x1], $0xffff;
	[tilespmem:v0+s23+$0xFFFFFFE0 ss:$0x1] =	vst.idx.msk $0xffff, v5  }
0x44: {  	v57 =	vld.idx.msk [tilespmem:v1+s24+$0xFFFFFF90 ss:$0x1], $0xffff;
	[tilespmem:v0+s23+$0xFFFFFFF0 ss:$0x1] =	vst.idx.msk $0xffff, v4  }
0x45: {  	v58 =	vld.idx.msk [tilespmem:v1+s24+$0xFFFFFFA0 ss:$0x1], $0xffff;
	[tilespmem:v0+s23+$0x0 ss:$0x1] =	vst.idx.msk $0xffff, v2  }
0x46: {  	v59 =	vld.idx.msk [tilespmem:v1+s24+$0xFFFFFFB0 ss:$0x1], $0xffff;
	[tilespmem:v0+s23+$0x10 ss:$0x1] =	vst.idx.msk $0xffff, v3  }
0x47: {  	v60 =	vld.idx.msk [tilespmem:v1+s24+$0xFFFFFFC0 ss:$0x1], $0xffff;
	[tilespmem:v0+s23+$0x20 ss:$0x1] =	vst.idx.msk $0xffff, v7  }
0x48: {  	v61 =	vld.idx.msk [tilespmem:v1+s24+$0xFFFFFFD0 ss:$0x1], $0xffff;
	[tilespmem:v0+s24+$0x30 ss:$0x1] =	vst.idx.msk $0xffff, v56  }
0x49: {  	v62 =	vld.idx.msk [tilespmem:v1+s24+$0xFFFFFFE0 ss:$0x1], $0xffff;
	s22 =	sadd.s32 $0x1, s22;
	[tilespmem:v0+s24+$0xFFFFFFC0 ss:$0x1] =	vst.idx.msk $0xffff, v57  }
0x4a: {  	v63 =	vld.idx.msk [tilespmem:v1+s24+$0xFFFFFFF0 ss:$0x1], $0xffff;
	p0 =	sne.s32 s22, $0x10;
	[tilespmem:v0+s24+$0xFFFFFFD0 ss:$0x1] =	vst.idx.msk $0xffff, v58  }
.Ltmp4:
0x4b: {  	[tilespmem:v0+s24+$0xFFFFFFE0 ss:$0x1] =	vst.idx.msk $0xffff, v59;
	(pc) =	sbr.rel @p0 .LBB1_3-.Ltmp4, $4  }
0x4c: {  	[tilespmem:v0+s24+$0xFFFFFFF0 ss:$0x1] =	vst.idx.msk $0xffff, v60  }
0x4d: {  	[tilespmem:v0+s24+$0x0 ss:$0x1] =	vst.idx.msk $0xffff, v61  }
0x4e: {  	[tilespmem:v0+s24+$0x10 ss:$0x1] =	vst.idx.msk $0xffff, v62  }
0x4f: {  	s20 =	sadd.s32 $0x400, s20;
	s21 =	sadd.s32 $0x400, s21;
	[tilespmem:v0+s24+$0x20 ss:$0x1] =	vst.idx.msk $0xffff, v63  }
0x50: {  	s20 =	sand.u32 $0x78, s15;
	s17 =	sshll.u32 s17, $0x7;
	s21 =	sshll.u32 s15, $0x3  }
0x51: {  	s18 =	smul.u32 $0x1200, s18;
	s16 =	sshll.u32 s16, $0x9;
	s17 =	sand.u32 $0x380, s17  }
.Ltmp5:
0x52: {  	s21 =	sand.u32 $0xC00, s21;
	s17 =	sor.u32 s20, s17;
	(pc) =	sbr.rel .LBB1_7-.Ltmp5, $4  }
0x53: {  	s31 =	sand.u32 $0x7, s15;
	s18 =	sadd.s32 s6, s18;
	s17 =	sor.u32 s21, s17  }
0x54: {  	s15 =	sshll.u32 s31, $0x12;
	s16 =	sadd.s32 s16, s18;
	s17 =	sshrl.u32 s17, $0x3  }
0x55: {  	s15 =	sor.u32 $0x400, s15;
	s16 =	sadd.s32 s17, s16  }
0x56: {  	[hbm4b:s16+s15] =	stream.strided.scatter [tilespmem:s19], [sflag:$0x2], $0x4000, s8, s15, $0x38;
	[tilespmem:$0x10000] =	vst v63  }
.LBB1_8:
0x57: {  	_ =	sfence.sel $0x180000  }
0x58: {  	s2 =	simm.s32 $0x1;
	[bflag:$0x0] =	sbarrier.arrive $0xFFFF  }
0x59: {  	s31 =	simm.s32 $0x2;
	[sflag:s2] =	ssyncpa.u1 $0x1  }
0x5a: {  	[sflag:s31] =	ssyncpa.u1 $0x1  }
0x5b: {  	p0 =	sne.s32 s0, $0x0;
	_ =	strace $0x90000050  }
0x5c: {  	s0 =	sadd.s32 @!p0 $0x100000, s1;
	[bflag:$0x2] =	sbarrier.arrive $0xFFFF  }
0x5d: {  	[sflag:s0] =	ssyncadd.tile.s32 @!p0 $0x1;
	_ =	shalt  }
.Lfunc_end1:
_tile_overlayer_lowered:
.L_overlay_start_2:
0x5e: {  	(tag) =	ssettag $0x2  }
0x5f: {  	s0 =	rddreg [dreg:$0x0];
	s2 =	stileid.u32  }
0x60: {  	s1 =	rddreg [dreg:$0x1];
	p0 =	sne.s32 s2, $0x0  }
0x61: {  	s3 =	rddreg [dreg:$0x2];
	[bflag:$0x3] =	sbarrier.arrive $0xFFFF;
	s2 =	simm.s32 @!p0 $0x1C01  }
0x62: {  	[timem:s3], [sflag:s2] =	dma.local @!p0 [hbm:s0], s1  }
0x63: {  	s0 =	simm.s32 @!p0 $0x1  }
0x64: {  	_ =	swait.ge @!p0 [sflag:s0], s1  }
0x65: {  	s1 =	ssub.s32 @!p0 $0x0, s1;
	[sflag:s0] =	ssyncset.done @!p0 $0x0  }
0x66: {  	[sflag:s0] =	ssyncadd.s32 @!p0 s1  }
0x67: {  	[bflag:$0x3] =	sbarrier.arrive $0xFFFF  }
0x68: {  	_ =	shalt  }

</sc_bundles>
